<compile_context>
chip_gen: v7x
topology: tpu7x:2x2x1
jax: 0.10.2.dev20260603
libtpu: 0.0.44.dev20260713+nightly
codegen_flags: <defaults>
</compile_context>

<pallas_src>
import functools

import jax
import jax.numpy as jnp
from jax import lax
from jax.experimental import pallas as pl
from jax.experimental.pallas import tpu as pltpu
from jax.experimental.pallas import tpu_sc as plsc

NC = 2
NS = 16
NW = NC * NS

CHUNK = 128


def _sc_scatter_add(n_nodes, n_edges, d):
    n_chunks = n_edges // CHUNK
    assert n_chunks * CHUNK == n_edges
    iters = n_chunks // NW
    extras = n_chunks % NW
    assert iters >= 6
    rows_per_tile = -(-n_nodes // (8 * NS)) * 8
    n_pad = rows_per_tile * NS

    mesh = plsc.VectorSubcoreMesh(core_axis_name="c", subcore_axis_name="s")

    def body(ei_hbm, ea_hbm, out_hbm,
             idx0, idx1, idx2, row0, row1, row2, acc,
             g0, g1, g2, s0, s1, s2):
        c = lax.axis_index("c")
        s = lax.axis_index("s")
        wid = c * NS + s
        base = wid * iters
        idxs = (idx0, idx1, idx2)
        rows = (row0, row1, row2)
        gsem = (g0, g1, g2)
        ssem = (s0, s1, s2)

        def issue_gather_chunk(chunk, b):
            off = chunk * CHUNK
            pltpu.async_copy(ei_hbm.at[0, pl.ds(off, CHUNK)], idxs[b], gsem[b])
            pltpu.async_copy(ea_hbm.at[pl.ds(off, CHUNK)], rows[b], gsem[b])

        def issue_gather(i, b):
            issue_gather_chunk(base + i, b)

        def wait_gather(b):
            pltpu.make_async_copy(ei_hbm.at[0, pl.ds(0, CHUNK)], idxs[b],
                                  gsem[b]).wait()
            pltpu.make_async_copy(ea_hbm.at[pl.ds(0, CHUNK)], rows[b],
                                  gsem[b]).wait()

        def issue_scatter(b):
            pltpu.async_copy(rows[b], acc.at[idxs[b]], ssem[b], add=True)

        def wait_scatter(b):
            pltpu.make_async_copy(rows[b], acc.at[idxs[b]], ssem[b]).wait()

        issue_gather(0, 0)
        issue_gather(1, 1)

        def zrow(r, carry):
            z = jnp.zeros((16,), jnp.float32)
            for cc in range(d // 16):
                row2[r, pl.ds(cc * 16, 16)] = z
            return carry
        lax.fori_loop(0, CHUNK, zrow, 0)
        r0 = s * rows_per_tile
        for j in range(rows_per_tile // CHUNK):
            pltpu.sync_copy(row2, acc.at[pl.ds(r0 + j * CHUNK, CHUNK)])
        rem_rows = rows_per_tile % CHUNK
        if rem_rows:
            pltpu.sync_copy(row2.at[pl.ds(0, rem_rows)],
                            acc.at[pl.ds(r0 + rows_per_tile - rem_rows,
                                         rem_rows)])
        plsc.subcore_barrier()

        wait_gather(0)
        issue_scatter(0)
        issue_gather(2, 2)
        wait_gather(1)
        issue_scatter(1)
        wait_scatter(0)
        issue_gather(3, 0)
        wait_gather(2)
        issue_scatter(2)
        wait_scatter(1)
        issue_gather(4, 1)

        G = iters // 3 - 1

        def group(g, carry):
            i0 = 3 * g
            for k in range(3):
                b = k
                nb = (k + 2) % 3
                wait_gather(b)
                issue_scatter(b)
                wait_scatter(nb)
                issue_gather(i0 + k + 2, nb)
            return carry
        lax.fori_loop(1, G, group, 0)

        extra_issued = False
        eb = 0
        for i in range(3 * G, iters):
            b = i % 3
            nb = (b + 2) % 3
            wait_gather(b)
            issue_scatter(b)
            wait_scatter(nb)
            if i + 2 < iters:
                issue_gather(i + 2, nb)
            elif extras and not extra_issued:
                extra_issued = True
                eb = nb

                @pl.when(wid < extras)
                def _():
                    issue_gather_chunk(NW * iters + wid, nb)
        if extras:
            @pl.when(wid < extras)
            def _():
                wait_gather(eb)
                issue_scatter(eb)
        wait_scatter((iters - 1) % 3)
        if extras:
            @pl.when(wid < extras)
            def _():
                wait_scatter(eb)

        plsc.subcore_barrier()
        pltpu.sync_copy(acc.at[pl.ds(r0, rows_per_tile)],
                        out_hbm.at[c, pl.ds(r0, rows_per_tile)])

    scatter_kernel = functools.partial(
        pl.kernel,
        out_type=jax.ShapeDtypeStruct((NC, n_pad, d), jnp.float32),
        mesh=mesh,
        scratch_types=[
            pltpu.VMEM((CHUNK,), jnp.int32),
            pltpu.VMEM((CHUNK,), jnp.int32),
            pltpu.VMEM((CHUNK,), jnp.int32),
            pltpu.VMEM((CHUNK, d), jnp.float32),
            pltpu.VMEM((CHUNK, d), jnp.float32),
            pltpu.VMEM((CHUNK, d), jnp.float32),
            pltpu.VMEM_SHARED((n_pad, d), jnp.float32),
            pltpu.SemaphoreType.DMA,
            pltpu.SemaphoreType.DMA,
            pltpu.SemaphoreType.DMA,
            pltpu.SemaphoreType.DMA,
            pltpu.SemaphoreType.DMA,
            pltpu.SemaphoreType.DMA,
        ],
    )(body)
    return scatter_kernel, n_pad


def _mlp_body(x_ref, a2_ref, w1_ref, b1_ref,
              w2_ref, b2_ref, g_ref, bt_ref, o_ref):
    x = x_ref[...]
    a = a2_ref[0] + a2_ref[1]
    xa = jnp.concatenate([x, a], axis=-1)
    h = (jnp.dot(xa, w1_ref[...], preferred_element_type=jnp.float32,
                 precision=lax.Precision.DEFAULT)
         + b1_ref[...])
    h = h * jax.nn.sigmoid(h)
    y = (jnp.dot(h, w2_ref[...], preferred_element_type=jnp.float32,
                 precision=lax.Precision.DEFAULT)
         + b2_ref[...])
    mean = jnp.mean(y, axis=-1, keepdims=True)
    cen = y - mean
    var = jnp.mean(cen * cen, axis=-1, keepdims=True)
    o_ref[...] = cen * lax.rsqrt(var + 1e-5) * g_ref[...] + bt_ref[...] + x


def kernel(x, edge_index, edge_attr, W1, b1, W2, b2, ln_gamma, ln_beta):
    n_nodes, d = x.shape
    n_edges = edge_attr.shape[0]

    ei = jnp.asarray(edge_index, jnp.int32)

    sc_fn, n_pad = _sc_scatter_add(n_nodes, n_edges, d)
    agg2 = sc_fn(ei, edge_attr)

    blk = 2000
    grid = (n_nodes // blk,)
    row_spec = pl.BlockSpec((blk, d), lambda i: (i, 0))
    full = lambda shape: pl.BlockSpec(shape, lambda i: (0,) * len(shape))

    out = pl.pallas_call(
        _mlp_body,
        grid=grid,
        in_specs=[
            row_spec,
            pl.BlockSpec((2, blk, d), lambda i: (0, i, 0)),
            full((2 * d, d)), full((1, d)),
            full((d, d)), full((1, d)), full((1, d)), full((1, d)),
        ],
        out_specs=row_spec,
        out_shape=jax.ShapeDtypeStruct((n_nodes, d), jnp.float32),
    )(x, agg2, W1, b1.reshape(1, -1), W2, b2.reshape(1, -1),
      ln_gamma.reshape(1, -1), ln_beta.reshape(1, -1))
    return out

# --- scband reference (transcript-rebuilt; emitter-appended) ---
"""Pipeline reference for scband-node-processor-6133213298854 (READ-ONLY COPY).

The authoritative reference and input builder live on the scoring server;
editing this copy changes nothing except your own understanding.
"""

import jax, jax.numpy as jnp
import numpy as np

N_NODES = 10000
N_EDGES = 320000
D_FEAT = 128
D_EDGE = 128
HS = [256, 128, 128]


def setup_inputs(seed: int = 0) -> dict:
    key = jax.random.key(seed)
    k_x, k_ei, k_ea, k_w1, k_b1, k_w2, k_b2 = jax.random.split(key, 7)
    x = jax.random.normal(k_x, (N_NODES, D_FEAT), dtype=jnp.float32)
    edge_index = jax.random.randint(k_ei, (2, N_EDGES), 0, N_NODES, dtype=jnp.int64)
    edge_attr = jax.random.normal(k_ea, (N_EDGES, D_EDGE), dtype=jnp.float32)
    # MLP params: Linear(256->128), SiLU, Linear(128->128)
    W1 = jax.random.normal(k_w1, (HS[0], HS[1]), dtype=jnp.float32) * (1.0 / np.sqrt(HS[0]))
    b1 = jnp.zeros((HS[1],), dtype=jnp.float32)
    W2 = jax.random.normal(k_w2, (HS[1], HS[2]), dtype=jnp.float32) * (1.0 / np.sqrt(HS[1]))
    b2 = jnp.zeros((HS[2],), dtype=jnp.float32)
    ln_gamma = jnp.ones((HS[2],), dtype=jnp.float32)
    ln_beta = jnp.zeros((HS[2],), dtype=jnp.float32)
    return {"x": x, "edge_index": edge_index, "edge_attr": edge_attr,
            "W1": W1, "b1": b1, "W2": W2, "b2": b2,
            "ln_gamma": ln_gamma, "ln_beta": ln_beta}


def reference(x, edge_index, edge_attr, W1, b1, W2, b2, ln_gamma, ln_beta):
    i = edge_index[0]
    # scatter-add edge_attr into per-node aggregate (default scatter reduce = sum)
    agg = jnp.zeros((x.shape[0], edge_attr.shape[1]), dtype=edge_attr.dtype).at[i].add(edge_attr)
    out = jnp.concatenate([x, agg], axis=-1)
    # MLP: Linear -> SiLU -> Linear
    h = jax.nn.silu(out @ W1 + b1)
    h = h @ W2 + b2
    # LayerNorm over last dim
    mean = jnp.mean(h, axis=-1, keepdims=True)
    var = jnp.var(h, axis=-1, keepdims=True)
    h = (h - mean) / jnp.sqrt(var + 1e-5) * ln_gamma + ln_beta
    return h + x

if __name__ == "__main__":
    import jax
    _d = setup_inputs()
    print(jax.jit(kernel)(*tuple(_d.values())))

</pallas_src>

<mosaic_0001>
#map = affine_map<(d0, d1) -> (0, 0)>
#map1 = affine_map<(d0, d1) -> (0, 0, 0)>
module attributes {stable_mosaic.version = 14 : i64} {
  func.func @body(%arg0: i32, %arg1: i32, %arg2: memref<2x320000xi32, #tpu.memory_space<hbm>>, %arg3: memref<320000x128xf32, #tpu.memory_space<hbm>>, %arg4: memref<2x10112x128xf32, #tpu.memory_space<hbm>>, %arg5: memref<128xi32, #tpu.memory_space<vmem>>, %arg6: memref<128xi32, #tpu.memory_space<vmem>>, %arg7: memref<128xi32, #tpu.memory_space<vmem>>, %arg8: memref<128x128xf32, #tpu.memory_space<vmem>>, %arg9: memref<128x128xf32, #tpu.memory_space<vmem>>, %arg10: memref<128x128xf32, #tpu.memory_space<vmem>>, %arg11: memref<10112x128xf32, #tpu.memory_space<vmem_shared>>, %arg12: memref<!tpu.dma_semaphore, #tpu.memory_space<semaphore_mem>>, %arg13: memref<!tpu.dma_semaphore, #tpu.memory_space<semaphore_mem>>, %arg14: memref<!tpu.dma_semaphore, #tpu.memory_space<semaphore_mem>>, %arg15: memref<!tpu.dma_semaphore, #tpu.memory_space<semaphore_mem>>, %arg16: memref<!tpu.dma_semaphore, #tpu.memory_space<semaphore_mem>>, %arg17: memref<!tpu.dma_semaphore, #tpu.memory_space<semaphore_mem>>) attributes {dimension_semantics = [#tpu.dimension_semantics<core_parallel>, #tpu.dimension_semantics<subcore_parallel>], iteration_bounds = array<i64: 2, 16>, scalar_prefetch = 0 : i64, scratch_operands = 13 : i64, tpu.core_type = #tpu.core_type<sc_vector_subcore>, window_params = [{transform_indices = #map}, {transform_indices = #map}, {transform_indices = #map1}]} {
    %mul3A = arith.constant 16 : i32
    %mul3A_0 = arith.muli %arg0, %mul3A : i32
    %add3A = arith.addi %mul3A_0, %arg1 : i32
    %mul3A_1 = arith.constant 78 : i32
    %mul3A_2 = arith.muli %add3A, %mul3A_1 : i32
    %add3A_3 = arith.constant 0 : i32
    %add3A_4 = arith.addi %mul3A_2, %add3A_3 : i32
    %mul3A_5 = arith.constant 128 : i32
    %mul3A_6 = arith.muli %add3A_4, %mul3A_5 : i32
    %dma_start3A = arith.constant 0 : i32
    %dma_start3A_7 = tpu.memref_slice %arg2[%dma_start3A, %mul3A_6] : memref<2x320000xi32, #tpu.memory_space<hbm>> -> memref<1x128xi32, #tpu.memory_space<hbm>>
    %dma_start3A_8 = tpu.memref_squeeze %dma_start3A_7 : memref<1x128xi32, #tpu.memory_space<hbm>> -> memref<128xi32, #tpu.memory_space<hbm>>
    %dma_start3A_9 = tpu.memref_slice %arg2[%dma_start3A, %mul3A_6] : memref<2x320000xi32, #tpu.memory_space<hbm>> -> memref<1x128xi32, #tpu.memory_space<hbm>>
    %dma_start3A_10 = tpu.memref_squeeze %dma_start3A_9 : memref<1x128xi32, #tpu.memory_space<hbm>> -> memref<128xi32, #tpu.memory_space<hbm>>
    tpu.enqueue_dma source(%dma_start3A_10 : memref<128xi32, #tpu.memory_space<hbm>>) target(%arg5 : memref<128xi32, #tpu.memory_space<vmem>>) target_semaphore(%arg12 : memref<!tpu.dma_semaphore, #tpu.memory_space<semaphore_mem>>)
    %dma_start3A_11 = arith.constant 0 : i32
    %dma_start3A_12 = tpu.memref_slice %arg3[%mul3A_6, %dma_start3A_11] : memref<320000x128xf32, #tpu.memory_space<hbm>> -> memref<128x128xf32, #tpu.memory_space<hbm>>
    %dma_start3A_13 = arith.constant 0 : i32
    %dma_start3A_14 = tpu.memref_slice %arg3[%mul3A_6, %dma_start3A_13] : memref<320000x128xf32, #tpu.memory_space<hbm>> -> memref<128x128xf32, #tpu.memory_space<hbm>>
    tpu.enqueue_dma source(%dma_start3A_14 : memref<128x128xf32, #tpu.memory_space<hbm>>) target(%arg8 : memref<128x128xf32, #tpu.memory_space<vmem>>) target_semaphore(%arg12 : memref<!tpu.dma_semaphore, #tpu.memory_space<semaphore_mem>>)
    %add3A_15 = arith.constant 1 : i32
    %add3A_16 = arith.addi %mul3A_2, %add3A_15 : i32
    %mul3A_17 = arith.constant 128 : i32
    %mul3A_18 = arith.muli %add3A_16, %mul3A_17 : i32
    %dma_start3A_19 = arith.constant 0 : i32
    %dma_start3A_20 = tpu.memref_slice %arg2[%dma_start3A_19, %mul3A_18] : memref<2x320000xi32, #tpu.memory_space<hbm>> -> memref<1x128xi32, #tpu.memory_space<hbm>>
    %dma_start3A_21 = tpu.memref_squeeze %dma_start3A_20 : memref<1x128xi32, #tpu.memory_space<hbm>> -> memref<128xi32, #tpu.memory_space<hbm>>
    %dma_start3A_22 = tpu.memref_slice %arg2[%dma_start3A_19, %mul3A_18] : memref<2x320000xi32, #tpu.memory_space<hbm>> -> memref<1x128xi32, #tpu.memory_space<hbm>>
    %dma_start3A_23 = tpu.memref_squeeze %dma_start3A_22 : memref<1x128xi32, #tpu.memory_space<hbm>> -> memref<128xi32, #tpu.memory_space<hbm>>
    tpu.enqueue_dma source(%dma_start3A_23 : memref<128xi32, #tpu.memory_space<hbm>>) target(%arg6 : memref<128xi32, #tpu.memory_space<vmem>>) target_semaphore(%arg13 : memref<!tpu.dma_semaphore, #tpu.memory_space<semaphore_mem>>)
    %dma_start3A_24 = arith.constant 0 : i32
    %dma_start3A_25 = tpu.memref_slice %arg3[%mul3A_18, %dma_start3A_24] : memref<320000x128xf32, #tpu.memory_space<hbm>> -> memref<128x128xf32, #tpu.memory_space<hbm>>
    %dma_start3A_26 = arith.constant 0 : i32
    %dma_start3A_27 = tpu.memref_slice %arg3[%mul3A_18, %dma_start3A_26] : memref<320000x128xf32, #tpu.memory_space<hbm>> -> memref<128x128xf32, #tpu.memory_space<hbm>>
    tpu.enqueue_dma source(%dma_start3A_27 : memref<128x128xf32, #tpu.memory_space<hbm>>) target(%arg9 : memref<128x128xf32, #tpu.memory_space<vmem>>) target_semaphore(%arg13 : memref<!tpu.dma_semaphore, #tpu.memory_space<semaphore_mem>>)
    %scan3A = arith.constant 0 : i32
    %scan3A_28 = arith.constant 0 : i32
    %scan3A_29 = arith.constant 128 : i32
    %scan3A_30 = arith.addi %scan3A_28, %scan3A_29 : i32
    %scan3A_31 = arith.constant 1 : i32
    scf.for %scan3A_230 = %scan3A_28 to %scan3A_30 step %scan3A_31  : i32 {
      %broadcast_in_dim3A = arith.constant 0.000000e+00 : f32
      %broadcast_in_dim3A_231 = vector.broadcast %broadcast_in_dim3A : f32 to vector<16xf32>
      %swap3A = arith.index_cast %scan3A_230 : i32 to index
      %swap3A_232 = arith.constant 0 : index
      %swap3A_233 = tpu.vector_load %arg10[%swap3A, %swap3A_232] {strides = array<i32>} : memref<128x128xf32, #tpu.memory_space<vmem>>, vector<1x16xf32>,
      %swap3A_234 = vector.shape_cast %swap3A_233 : vector<1x16xf32> to vector<16xf32>
      %swap3A_235 = vector.shape_cast %broadcast_in_dim3A_231 : vector<16xf32> to vector<1x16xf32>
      tpu.vector_store %arg10[%swap3A, %swap3A_232], %swap3A_235 {strides = array<i32>} : memref<128x128xf32, #tpu.memory_space<vmem>>, vector<1x16xf32>,
      %swap3A_236 = arith.index_cast %scan3A_230 : i32 to index
      %swap3A_237 = arith.constant 16 : index
      %swap3A_238 = tpu.vector_load %arg10[%swap3A_236, %swap3A_237] {strides = array<i32>} : memref<128x128xf32, #tpu.memory_space<vmem>>, vector<1x16xf32>,
      %swap3A_239 = vector.shape_cast %swap3A_238 : vector<1x16xf32> to vector<16xf32>
      %swap3A_240 = vector.shape_cast %broadcast_in_dim3A_231 : vector<16xf32> to vector<1x16xf32>
      tpu.vector_store %arg10[%swap3A_236, %swap3A_237], %swap3A_240 {strides = array<i32>} : memref<128x128xf32, #tpu.memory_space<vmem>>, vector<1x16xf32>,
      %swap3A_241 = arith.index_cast %scan3A_230 : i32 to index
      %swap3A_242 = arith.constant 32 : index
      %swap3A_243 = tpu.vector_load %arg10[%swap3A_241, %swap3A_242] {strides = array<i32>} : memref<128x128xf32, #tpu.memory_space<vmem>>, vector<1x16xf32>,
      %swap3A_244 = vector.shape_cast %swap3A_243 : vector<1x16xf32> to vector<16xf32>
      %swap3A_245 = vector.shape_cast %broadcast_in_dim3A_231 : vector<16xf32> to vector<1x16xf32>
      tpu.vector_store %arg10[%swap3A_241, %swap3A_242], %swap3A_245 {strides = array<i32>} : memref<128x128xf32, #tpu.memory_space<vmem>>, vector<1x16xf32>,
      %swap3A_246 = arith.index_cast %scan3A_230 : i32 to index
      %swap3A_247 = arith.constant 48 : index
      %swap3A_248 = tpu.vector_load %arg10[%swap3A_246, %swap3A_247] {strides = array<i32>} : memref<128x128xf32, #tpu.memory_space<vmem>>, vector<1x16xf32>,
      %swap3A_249 = vector.shape_cast %swap3A_248 : vector<1x16xf32> to vector<16xf32>
      %swap3A_250 = vector.shape_cast %broadcast_in_dim3A_231 : vector<16xf32> to vector<1x16xf32>
      tpu.vector_store %arg10[%swap3A_246, %swap3A_247], %swap3A_250 {strides = array<i32>} : memref<128x128xf32, #tpu.memory_space<vmem>>, vector<1x16xf32>,
      %swap3A_251 = arith.index_cast %scan3A_230 : i32 to index
      %swap3A_252 = arith.constant 64 : index
      %swap3A_253 = tpu.vector_load %arg10[%swap3A_251, %swap3A_252] {strides = array<i32>} : memref<128x128xf32, #tpu.memory_space<vmem>>, vector<1x16xf32>,
      %swap3A_254 = vector.shape_cast %swap3A_253 : vector<1x16xf32> to vector<16xf32>
      %swap3A_255 = vector.shape_cast %broadcast_in_dim3A_231 : vector<16xf32> to vector<1x16xf32>
      tpu.vector_store %arg10[%swap3A_251, %swap3A_252], %swap3A_255 {strides = array<i32>} : memref<128x128xf32, #tpu.memory_space<vmem>>, vector<1x16xf32>,
      %swap3A_256 = arith.index_cast %scan3A_230 : i32 to index
      %swap3A_257 = arith.constant 80 : index
      %swap3A_258 = tpu.vector_load %arg10[%swap3A_256, %swap3A_257] {strides = array<i32>} : memref<128x128xf32, #tpu.memory_space<vmem>>, vector<1x16xf32>,
      %swap3A_259 = vector.shape_cast %swap3A_258 : vector<1x16xf32> to vector<16xf32>
      %swap3A_260 = vector.shape_cast %broadcast_in_dim3A_231 : vector<16xf32> to vector<1x16xf32>
      tpu.vector_store %arg10[%swap3A_256, %swap3A_257], %swap3A_260 {strides = array<i32>} : memref<128x128xf32, #tpu.memory_space<vmem>>, vector<1x16xf32>,
      %swap3A_261 = arith.index_cast %scan3A_230 : i32 to index
      %swap3A_262 = arith.constant 96 : index
      %swap3A_263 = tpu.vector_load %arg10[%swap3A_261, %swap3A_262] {strides = array<i32>} : memref<128x128xf32, #tpu.memory_space<vmem>>, vector<1x16xf32>,
      %swap3A_264 = vector.shape_cast %swap3A_263 : vector<1x16xf32> to vector<16xf32>
      %swap3A_265 = vector.shape_cast %broadcast_in_dim3A_231 : vector<16xf32> to vector<1x16xf32>
      tpu.vector_store %arg10[%swap3A_261, %swap3A_262], %swap3A_265 {strides = array<i32>} : memref<128x128xf32, #tpu.memory_space<vmem>>, vector<1x16xf32>,
      %swap3A_266 = arith.index_cast %scan3A_230 : i32 to index
      %swap3A_267 = arith.constant 112 : index
      %swap3A_268 = tpu.vector_load %arg10[%swap3A_266, %swap3A_267] {strides = array<i32>} : memref<128x128xf32, #tpu.memory_space<vmem>>, vector<1x16xf32>,
      %swap3A_269 = vector.shape_cast %swap3A_268 : vector<1x16xf32> to vector<16xf32>
      %swap3A_270 = vector.shape_cast %broadcast_in_dim3A_231 : vector<16xf32> to vector<1x16xf32>
      tpu.vector_store %arg10[%swap3A_266, %swap3A_267], %swap3A_270 {strides = array<i32>} : memref<128x128xf32, #tpu.memory_space<vmem>>, vector<1x16xf32>,
    }
    %scan3A_32 = arith.constant 128 : i32
    %mul3A_33 = arith.constant 632 : i32
    %mul3A_34 = arith.muli %arg1, %mul3A_33 : i32
    %add3A_35 = arith.constant 0 : i32
    %add3A_36 = arith.addi %mul3A_34, %add3A_35 : i32
    "tpu.region"() ({
      %run_scoped3A = tpu.sem_alloc : memref<!tpu.dma_semaphore, #tpu.memory_space<semaphore_mem>>
      %dma_start3A_230 = arith.constant 0 : i32
      %dma_start3A_231 = tpu.memref_slice %arg11[%add3A_36, %dma_start3A_230] : memref<10112x128xf32, #tpu.memory_space<vmem_shared>> -> memref<128x128xf32, #tpu.memory_space<vmem_shared>>
      %dma_start3A_232 = arith.constant 0 : i32
      %dma_start3A_233 = tpu.memref_slice %arg11[%add3A_36, %dma_start3A_232] : memref<10112x128xf32, #tpu.memory_space<vmem_shared>> -> memref<128x128xf32, #tpu.memory_space<vmem_shared>>
      tpu.enqueue_dma source(%arg10 : memref<128x128xf32, #tpu.memory_space<vmem>>) target(%dma_start3A_233 : memref<128x128xf32, #tpu.memory_space<vmem_shared>>) target_semaphore(%run_scoped3A : memref<!tpu.dma_semaphore, #tpu.memory_space<semaphore_mem>>)
      %dma_wait3A_234 = arith.constant 0 : i32
      %dma_wait3A_235 = tpu.memref_slice %arg11[%add3A_36, %dma_wait3A_234] : memref<10112x128xf32, #tpu.memory_space<vmem_shared>> -> memref<128x128xf32, #tpu.memory_space<vmem_shared>>
      %dma_wait3A_236 = arith.constant 0 : i32
      %dma_wait3A_237 = tpu.memref_slice %arg11[%add3A_36, %dma_wait3A_236] : memref<10112x128xf32, #tpu.memory_space<vmem_shared>> -> memref<128x128xf32, #tpu.memory_space<vmem_shared>>
      tpu.wait_dma2 semaphore(%run_scoped3A : memref<!tpu.dma_semaphore, #tpu.memory_space<semaphore_mem>>) src(%arg10 : memref<128x128xf32, #tpu.memory_space<vmem>>) dst(%dma_wait3A_237 : memref<128x128xf32, #tpu.memory_space<vmem_shared>>)
      tpu.yield
    }) : () -> ()
    %add3A_37 = arith.constant 128 : i32
    %add3A_38 = arith.addi %mul3A_34, %add3A_37 : i32
    "tpu.region"() ({
      %run_scoped3A = tpu.sem_alloc : memref<!tpu.dma_semaphore, #tpu.memory_space<semaphore_mem>>
      %dma_start3A_230 = arith.constant 0 : i32
      %dma_start3A_231 = tpu.memref_slice %arg11[%add3A_38, %dma_start3A_230] : memref<10112x128xf32, #tpu.memory_space<vmem_shared>> -> memref<128x128xf32, #tpu.memory_space<vmem_shared>>
      %dma_start3A_232 = arith.constant 0 : i32
      %dma_start3A_233 = tpu.memref_slice %arg11[%add3A_38, %dma_start3A_232] : memref<10112x128xf32, #tpu.memory_space<vmem_shared>> -> memref<128x128xf32, #tpu.memory_space<vmem_shared>>
      tpu.enqueue_dma source(%arg10 : memref<128x128xf32, #tpu.memory_space<vmem>>) target(%dma_start3A_233 : memref<128x128xf32, #tpu.memory_space<vmem_shared>>) target_semaphore(%run_scoped3A : memref<!tpu.dma_semaphore, #tpu.memory_space<semaphore_mem>>)
      %dma_wait3A_234 = arith.constant 0 : i32
      %dma_wait3A_235 = tpu.memref_slice %arg11[%add3A_38, %dma_wait3A_234] : memref<10112x128xf32, #tpu.memory_space<vmem_shared>> -> memref<128x128xf32, #tpu.memory_space<vmem_shared>>
      %dma_wait3A_236 = arith.constant 0 : i32
      %dma_wait3A_237 = tpu.memref_slice %arg11[%add3A_38, %dma_wait3A_236] : memref<10112x128xf32, #tpu.memory_space<vmem_shared>> -> memref<128x128xf32, #tpu.memory_space<vmem_shared>>
      tpu.wait_dma2 semaphore(%run_scoped3A : memref<!tpu.dma_semaphore, #tpu.memory_space<semaphore_mem>>) src(%arg10 : memref<128x128xf32, #tpu.memory_space<vmem>>) dst(%dma_wait3A_237 : memref<128x128xf32, #tpu.memory_space<vmem_shared>>)
      tpu.yield
    }) : () -> ()
    %add3A_39 = arith.constant 256 : i32
    %add3A_40 = arith.addi %mul3A_34, %add3A_39 : i32
    "tpu.region"() ({
      %run_scoped3A = tpu.sem_alloc : memref<!tpu.dma_semaphore, #tpu.memory_space<semaphore_mem>>
      %dma_start3A_230 = arith.constant 0 : i32
      %dma_start3A_231 = tpu.memref_slice %arg11[%add3A_40, %dma_start3A_230] : memref<10112x128xf32, #tpu.memory_space<vmem_shared>> -> memref<128x128xf32, #tpu.memory_space<vmem_shared>>
      %dma_start3A_232 = arith.constant 0 : i32
      %dma_start3A_233 = tpu.memref_slice %arg11[%add3A_40, %dma_start3A_232] : memref<10112x128xf32, #tpu.memory_space<vmem_shared>> -> memref<128x128xf32, #tpu.memory_space<vmem_shared>>
      tpu.enqueue_dma source(%arg10 : memref<128x128xf32, #tpu.memory_space<vmem>>) target(%dma_start3A_233 : memref<128x128xf32, #tpu.memory_space<vmem_shared>>) target_semaphore(%run_scoped3A : memref<!tpu.dma_semaphore, #tpu.memory_space<semaphore_mem>>)
      %dma_wait3A_234 = arith.constant 0 : i32
      %dma_wait3A_235 = tpu.memref_slice %arg11[%add3A_40, %dma_wait3A_234] : memref<10112x128xf32, #tpu.memory_space<vmem_shared>> -> memref<128x128xf32, #tpu.memory_space<vmem_shared>>
      %dma_wait3A_236 = arith.constant 0 : i32
      %dma_wait3A_237 = tpu.memref_slice %arg11[%add3A_40, %dma_wait3A_236] : memref<10112x128xf32, #tpu.memory_space<vmem_shared>> -> memref<128x128xf32, #tpu.memory_space<vmem_shared>>
      tpu.wait_dma2 semaphore(%run_scoped3A : memref<!tpu.dma_semaphore, #tpu.memory_space<semaphore_mem>>) src(%arg10 : memref<128x128xf32, #tpu.memory_space<vmem>>) dst(%dma_wait3A_237 : memref<128x128xf32, #tpu.memory_space<vmem_shared>>)
      tpu.yield
    }) : () -> ()
    %add3A_41 = arith.constant 384 : i32
    %add3A_42 = arith.addi %mul3A_34, %add3A_41 : i32
    "tpu.region"() ({
      %run_scoped3A = tpu.sem_alloc : memref<!tpu.dma_semaphore, #tpu.memory_space<semaphore_mem>>
      %dma_start3A_230 = arith.constant 0 : i32
      %dma_start3A_231 = tpu.memref_slice %arg11[%add3A_42, %dma_start3A_230] : memref<10112x128xf32, #tpu.memory_space<vmem_shared>> -> memref<128x128xf32, #tpu.memory_space<vmem_shared>>
      %dma_start3A_232 = arith.constant 0 : i32
      %dma_start3A_233 = tpu.memref_slice %arg11[%add3A_42, %dma_start3A_232] : memref<10112x128xf32, #tpu.memory_space<vmem_shared>> -> memref<128x128xf32, #tpu.memory_space<vmem_shared>>
      tpu.enqueue_dma source(%arg10 : memref<128x128xf32, #tpu.memory_space<vmem>>) target(%dma_start3A_233 : memref<128x128xf32, #tpu.memory_space<vmem_shared>>) target_semaphore(%run_scoped3A : memref<!tpu.dma_semaphore, #tpu.memory_space<semaphore_mem>>)
      %dma_wait3A_234 = arith.constant 0 : i32
      %dma_wait3A_235 = tpu.memref_slice %arg11[%add3A_42, %dma_wait3A_234] : memref<10112x128xf32, #tpu.memory_space<vmem_shared>> -> memref<128x128xf32, #tpu.memory_space<vmem_shared>>
      %dma_wait3A_236 = arith.constant 0 : i32
      %dma_wait3A_237 = tpu.memref_slice %arg11[%add3A_42, %dma_wait3A_236] : memref<10112x128xf32, #tpu.memory_space<vmem_shared>> -> memref<128x128xf32, #tpu.memory_space<vmem_shared>>
      tpu.wait_dma2 semaphore(%run_scoped3A : memref<!tpu.dma_semaphore, #tpu.memory_space<semaphore_mem>>) src(%arg10 : memref<128x128xf32, #tpu.memory_space<vmem>>) dst(%dma_wait3A_237 : memref<128x128xf32, #tpu.memory_space<vmem_shared>>)
      tpu.yield
    }) : () -> ()
    %add3A_43 = arith.constant 632 : i32
    %add3A_44 = arith.addi %mul3A_34, %add3A_43 : i32
    %sub3A = arith.constant 120 : i32
    %sub3A_45 = arith.subi %add3A_44, %sub3A : i32
    "tpu.region"() ({
      %run_scoped3A = tpu.sem_alloc : memref<!tpu.dma_semaphore, #tpu.memory_space<semaphore_mem>>
      %dma_start3A_230 = arith.constant 0 : i32
      %dma_start3A_231 = arith.constant 0 : i32
      %dma_start3A_232 = tpu.memref_slice %arg10[%dma_start3A_230, %dma_start3A_231] : memref<128x128xf32, #tpu.memory_space<vmem>> -> memref<120x128xf32, #tpu.memory_space<vmem>>
      %dma_start3A_233 = arith.constant 0 : i32
      %dma_start3A_234 = tpu.memref_slice %arg11[%sub3A_45, %dma_start3A_233] : memref<10112x128xf32, #tpu.memory_space<vmem_shared>> -> memref<120x128xf32, #tpu.memory_space<vmem_shared>>
      %dma_start3A_235 = arith.constant 0 : i32
      %dma_start3A_236 = tpu.memref_slice %arg11[%sub3A_45, %dma_start3A_235] : memref<10112x128xf32, #tpu.memory_space<vmem_shared>> -> memref<120x128xf32, #tpu.memory_space<vmem_shared>>
      %dma_start3A_237 = arith.constant 0 : i32
      %dma_start3A_238 = arith.constant 0 : i32
      %dma_start3A_239 = tpu.memref_slice %arg10[%dma_start3A_237, %dma_start3A_238] : memref<128x128xf32, #tpu.memory_space<vmem>> -> memref<120x128xf32, #tpu.memory_space<vmem>>
      tpu.enqueue_dma source(%dma_start3A_239 : memref<120x128xf32, #tpu.memory_space<vmem>>) target(%dma_start3A_236 : memref<120x128xf32, #tpu.memory_space<vmem_shared>>) target_semaphore(%run_scoped3A : memref<!tpu.dma_semaphore, #tpu.memory_space<semaphore_mem>>)
      %dma_wait3A_240 = arith.constant 0 : i32
      %dma_wait3A_241 = arith.constant 0 : i32
      %dma_wait3A_242 = tpu.memref_slice %arg10[%dma_wait3A_240, %dma_wait3A_241] : memref<128x128xf32, #tpu.memory_space<vmem>> -> memref<120x128xf32, #tpu.memory_space<vmem>>
      %dma_wait3A_243 = arith.constant 0 : i32
      %dma_wait3A_244 = tpu.memref_slice %arg11[%sub3A_45, %dma_wait3A_243] : memref<10112x128xf32, #tpu.memory_space<vmem_shared>> -> memref<120x128xf32, #tpu.memory_space<vmem_shared>>
      %dma_wait3A_245 = arith.constant 0 : i32
      %dma_wait3A_246 = tpu.memref_slice %arg11[%sub3A_45, %dma_wait3A_245] : memref<10112x128xf32, #tpu.memory_space<vmem_shared>> -> memref<120x128xf32, #tpu.memory_space<vmem_shared>>
      %dma_wait3A_247 = arith.constant 0 : i32
      %dma_wait3A_248 = arith.constant 0 : i32
      %dma_wait3A_249 = tpu.memref_slice %arg10[%dma_wait3A_247, %dma_wait3A_248] : memref<128x128xf32, #tpu.memory_space<vmem>> -> memref<120x128xf32, #tpu.memory_space<vmem>>
      tpu.wait_dma2 semaphore(%run_scoped3A : memref<!tpu.dma_semaphore, #tpu.memory_space<semaphore_mem>>) src(%dma_wait3A_249 : memref<120x128xf32, #tpu.memory_space<vmem>>) dst(%dma_wait3A_246 : memref<120x128xf32, #tpu.memory_space<vmem_shared>>)
      tpu.yield
    }) : () -> ()
    %barrier3A = arith.constant 0 : index
    tpu.barrier barrier_id(%barrier3A)
    %dma_wait3A = arith.constant 0 : i32
    %dma_wait3A_46 = arith.constant 0 : i32
    %dma_wait3A_47 = tpu.memref_slice %arg2[%dma_wait3A, %dma_wait3A_46] : memref<2x320000xi32, #tpu.memory_space<hbm>> -> memref<1x128xi32, #tpu.memory_space<hbm>>
    %dma_wait3A_48 = tpu.memref_squeeze %dma_wait3A_47 : memref<1x128xi32, #tpu.memory_space<hbm>> -> memref<128xi32, #tpu.memory_space<hbm>>
    %dma_wait3A_49 = arith.constant 0 : i32
    %dma_wait3A_50 = tpu.memref_slice %arg2[%dma_wait3A, %dma_wait3A_49] : memref<2x320000xi32, #tpu.memory_space<hbm>> -> memref<1x128xi32, #tpu.memory_space<hbm>>
    %dma_wait3A_51 = tpu.memref_squeeze %dma_wait3A_50 : memref<1x128xi32, #tpu.memory_space<hbm>> -> memref<128xi32, #tpu.memory_space<hbm>>
    tpu.wait_dma2 semaphore(%arg12 : memref<!tpu.dma_semaphore, #tpu.memory_space<semaphore_mem>>) src(%dma_wait3A_51 : memref<128xi32, #tpu.memory_space<hbm>>) dst(%arg5 : memref<128xi32, #tpu.memory_space<vmem>>)
    %dma_wait3A_52 = arith.constant 0 : i32
    %dma_wait3A_53 = arith.constant 0 : i32
    %dma_wait3A_54 = tpu.memref_slice %arg3[%dma_wait3A_52, %dma_wait3A_53] : memref<320000x128xf32, #tpu.memory_space<hbm>> -> memref<128x128xf32, #tpu.memory_space<hbm>>
    %dma_wait3A_55 = arith.constant 0 : i32
    %dma_wait3A_56 = arith.constant 0 : i32
    %dma_wait3A_57 = tpu.memref_slice %arg3[%dma_wait3A_55, %dma_wait3A_56] : memref<320000x128xf32, #tpu.memory_space<hbm>> -> memref<128x128xf32, #tpu.memory_space<hbm>>
    tpu.wait_dma2 semaphore(%arg12 : memref<!tpu.dma_semaphore, #tpu.memory_space<semaphore_mem>>) src(%dma_wait3A_57 : memref<128x128xf32, #tpu.memory_space<hbm>>) dst(%arg8 : memref<128x128xf32, #tpu.memory_space<vmem>>)
    %dma_start3A_58 = arith.constant 0 : i32
    %dma_start3A_59 = arith.constant 0 : i32
    %dma_start3A_60 = tpu.memref_slice %arg11[%dma_start3A_58, %dma_start3A_59] : memref<10112x128xf32, #tpu.memory_space<vmem_shared>> -> memref<10112x128xf32, #tpu.memory_space<vmem_shared>>
    tpu.enqueue_indirect_dma source(%arg8 : memref<128x128xf32, #tpu.memory_space<vmem>>) target(%dma_start3A_60 : memref<10112x128xf32, #tpu.memory_space<vmem_shared>>) offsets(%arg5 : memref<128xi32, #tpu.memory_space<vmem>>) semaphore(%arg15 : memref<!tpu.dma_semaphore, #tpu.memory_space<semaphore_mem>>) {add = true}
    %add3A_61 = arith.constant 2 : i32
    %add3A_62 = arith.addi %mul3A_2, %add3A_61 : i32
    %mul3A_63 = arith.constant 128 : i32
    %mul3A_64 = arith.muli %add3A_62, %mul3A_63 : i32
    %dma_start3A_65 = arith.constant 0 : i32
    %dma_start3A_66 = tpu.memref_slice %arg2[%dma_start3A_65, %mul3A_64] : memref<2x320000xi32, #tpu.memory_space<hbm>> -> memref<1x128xi32, #tpu.memory_space<hbm>>
    %dma_start3A_67 = tpu.memref_squeeze %dma_start3A_66 : memref<1x128xi32, #tpu.memory_space<hbm>> -> memref<128xi32, #tpu.memory_space<hbm>>
    %dma_start3A_68 = tpu.memref_slice %arg2[%dma_start3A_65, %mul3A_64] : memref<2x320000xi32, #tpu.memory_space<hbm>> -> memref<1x128xi32, #tpu.memory_space<hbm>>
    %dma_start3A_69 = tpu.memref_squeeze %dma_start3A_68 : memref<1x128xi32, #tpu.memory_space<hbm>> -> memref<128xi32, #tpu.memory_space<hbm>>
    tpu.enqueue_dma source(%dma_start3A_69 : memref<128xi32, #tpu.memory_space<hbm>>) target(%arg7 : memref<128xi32, #tpu.memory_space<vmem>>) target_semaphore(%arg14 : memref<!tpu.dma_semaphore, #tpu.memory_space<semaphore_mem>>)
    %dma_start3A_70 = arith.constant 0 : i32
    %dma_start3A_71 = tpu.memref_slice %arg3[%mul3A_64, %dma_start3A_70] : memref<320000x128xf32, #tpu.memory_space<hbm>> -> memref<128x128xf32, #tpu.memory_space<hbm>>
    %dma_start3A_72 = arith.constant 0 : i32
    %dma_start3A_73 = tpu.memref_slice %arg3[%mul3A_64, %dma_start3A_72] : memref<320000x128xf32, #tpu.memory_space<hbm>> -> memref<128x128xf32, #tpu.memory_space<hbm>>
    tpu.enqueue_dma source(%dma_start3A_73 : memref<128x128xf32, #tpu.memory_space<hbm>>) target(%arg10 : memref<128x128xf32, #tpu.memory_space<vmem>>) target_semaphore(%arg14 : memref<!tpu.dma_semaphore, #tpu.memory_space<semaphore_mem>>)
    %dma_wait3A_74 = arith.constant 0 : i32
    %dma_wait3A_75 = arith.constant 0 : i32
    %dma_wait3A_76 = tpu.memref_slice %arg2[%dma_wait3A_74, %dma_wait3A_75] : memref<2x320000xi32, #tpu.memory_space<hbm>> -> memref<1x128xi32, #tpu.memory_space<hbm>>
    %dma_wait3A_77 = tpu.memref_squeeze %dma_wait3A_76 : memref<1x128xi32, #tpu.memory_space<hbm>> -> memref<128xi32, #tpu.memory_space<hbm>>
    %dma_wait3A_78 = arith.constant 0 : i32
    %dma_wait3A_79 = tpu.memref_slice %arg2[%dma_wait3A_74, %dma_wait3A_78] : memref<2x320000xi32, #tpu.memory_space<hbm>> -> memref<1x128xi32, #tpu.memory_space<hbm>>
    %dma_wait3A_80 = tpu.memref_squeeze %dma_wait3A_79 : memref<1x128xi32, #tpu.memory_space<hbm>> -> memref<128xi32, #tpu.memory_space<hbm>>
    tpu.wait_dma2 semaphore(%arg13 : memref<!tpu.dma_semaphore, #tpu.memory_space<semaphore_mem>>) src(%dma_wait3A_80 : memref<128xi32, #tpu.memory_space<hbm>>) dst(%arg6 : memref<128xi32, #tpu.memory_space<vmem>>)
    %dma_wait3A_81 = arith.constant 0 : i32
    %dma_wait3A_82 = arith.constant 0 : i32
    %dma_wait3A_83 = tpu.memref_slice %arg3[%dma_wait3A_81, %dma_wait3A_82] : memref<320000x128xf32, #tpu.memory_space<hbm>> -> memref<128x128xf32, #tpu.memory_space<hbm>>
    %dma_wait3A_84 = arith.constant 0 : i32
    %dma_wait3A_85 = arith.constant 0 : i32
    %dma_wait3A_86 = tpu.memref_slice %arg3[%dma_wait3A_84, %dma_wait3A_85] : memref<320000x128xf32, #tpu.memory_space<hbm>> -> memref<128x128xf32, #tpu.memory_space<hbm>>
    tpu.wait_dma2 semaphore(%arg13 : memref<!tpu.dma_semaphore, #tpu.memory_space<semaphore_mem>>) src(%dma_wait3A_86 : memref<128x128xf32, #tpu.memory_space<hbm>>) dst(%arg9 : memref<128x128xf32, #tpu.memory_space<vmem>>)
    %dma_start3A_87 = arith.constant 0 : i32
    %dma_start3A_88 = arith.constant 0 : i32
    %dma_start3A_89 = tpu.memref_slice %arg11[%dma_start3A_87, %dma_start3A_88] : memref<10112x128xf32, #tpu.memory_space<vmem_shared>> -> memref<10112x128xf32, #tpu.memory_space<vmem_shared>>
    tpu.enqueue_indirect_dma source(%arg9 : memref<128x128xf32, #tpu.memory_space<vmem>>) target(%dma_start3A_89 : memref<10112x128xf32, #tpu.memory_space<vmem_shared>>) offsets(%arg6 : memref<128xi32, #tpu.memory_space<vmem>>) semaphore(%arg16 : memref<!tpu.dma_semaphore, #tpu.memory_space<semaphore_mem>>) {add = true}
    %dma_wait3A_90 = arith.constant 0 : i32
    %dma_wait3A_91 = arith.constant 0 : i32
    %dma_wait3A_92 = tpu.memref_slice %arg11[%dma_wait3A_90, %dma_wait3A_91] : memref<10112x128xf32, #tpu.memory_space<vmem_shared>> -> memref<10112x128xf32, #tpu.memory_space<vmem_shared>>
    tpu.wait_indirect_dma semaphore(%arg15 : memref<!tpu.dma_semaphore, #tpu.memory_space<semaphore_mem>>) src(%arg8 : memref<128x128xf32, #tpu.memory_space<vmem>>) dst(%dma_wait3A_92 : memref<10112x128xf32, #tpu.memory_space<vmem_shared>>)
    %add3A_93 = arith.constant 3 : i32
    %add3A_94 = arith.addi %mul3A_2, %add3A_93 : i32
    %mul3A_95 = arith.constant 128 : i32
    %mul3A_96 = arith.muli %add3A_94, %mul3A_95 : i32
    %dma_start3A_97 = arith.constant 0 : i32
    %dma_start3A_98 = tpu.memref_slice %arg2[%dma_start3A_97, %mul3A_96] : memref<2x320000xi32, #tpu.memory_space<hbm>> -> memref<1x128xi32, #tpu.memory_space<hbm>>
    %dma_start3A_99 = tpu.memref_squeeze %dma_start3A_98 : memref<1x128xi32, #tpu.memory_space<hbm>> -> memref<128xi32, #tpu.memory_space<hbm>>
    %dma_start3A_100 = tpu.memref_slice %arg2[%dma_start3A_97, %mul3A_96] : memref<2x320000xi32, #tpu.memory_space<hbm>> -> memref<1x128xi32, #tpu.memory_space<hbm>>
    %dma_start3A_101 = tpu.memref_squeeze %dma_start3A_100 : memref<1x128xi32, #tpu.memory_space<hbm>> -> memref<128xi32, #tpu.memory_space<hbm>>
    tpu.enqueue_dma source(%dma_start3A_101 : memref<128xi32, #tpu.memory_space<hbm>>) target(%arg5 : memref<128xi32, #tpu.memory_space<vmem>>) target_semaphore(%arg12 : memref<!tpu.dma_semaphore, #tpu.memory_space<semaphore_mem>>)
    %dma_start3A_102 = arith.constant 0 : i32
    %dma_start3A_103 = tpu.memref_slice %arg3[%mul3A_96, %dma_start3A_102] : memref<320000x128xf32, #tpu.memory_space<hbm>> -> memref<128x128xf32, #tpu.memory_space<hbm>>
    %dma_start3A_104 = arith.constant 0 : i32
    %dma_start3A_105 = tpu.memref_slice %arg3[%mul3A_96, %dma_start3A_104] : memref<320000x128xf32, #tpu.memory_space<hbm>> -> memref<128x128xf32, #tpu.memory_space<hbm>>
    tpu.enqueue_dma source(%dma_start3A_105 : memref<128x128xf32, #tpu.memory_space<hbm>>) target(%arg8 : memref<128x128xf32, #tpu.memory_space<vmem>>) target_semaphore(%arg12 : memref<!tpu.dma_semaphore, #tpu.memory_space<semaphore_mem>>)
    %dma_wait3A_106 = arith.constant 0 : i32
    %dma_wait3A_107 = arith.constant 0 : i32
    %dma_wait3A_108 = tpu.memref_slice %arg2[%dma_wait3A_106, %dma_wait3A_107] : memref<2x320000xi32, #tpu.memory_space<hbm>> -> memref<1x128xi32, #tpu.memory_space<hbm>>
    %dma_wait3A_109 = tpu.memref_squeeze %dma_wait3A_108 : memref<1x128xi32, #tpu.memory_space<hbm>> -> memref<128xi32, #tpu.memory_space<hbm>>
    %dma_wait3A_110 = arith.constant 0 : i32
    %dma_wait3A_111 = tpu.memref_slice %arg2[%dma_wait3A_106, %dma_wait3A_110] : memref<2x320000xi32, #tpu.memory_space<hbm>> -> memref<1x128xi32, #tpu.memory_space<hbm>>
    %dma_wait3A_112 = tpu.memref_squeeze %dma_wait3A_111 : memref<1x128xi32, #tpu.memory_space<hbm>> -> memref<128xi32, #tpu.memory_space<hbm>>
    tpu.wait_dma2 semaphore(%arg14 : memref<!tpu.dma_semaphore, #tpu.memory_space<semaphore_mem>>) src(%dma_wait3A_112 : memref<128xi32, #tpu.memory_space<hbm>>) dst(%arg7 : memref<128xi32, #tpu.memory_space<vmem>>)
    %dma_wait3A_113 = arith.constant 0 : i32
    %dma_wait3A_114 = arith.constant 0 : i32
    %dma_wait3A_115 = tpu.memref_slice %arg3[%dma_wait3A_113, %dma_wait3A_114] : memref<320000x128xf32, #tpu.memory_space<hbm>> -> memref<128x128xf32, #tpu.memory_space<hbm>>
    %dma_wait3A_116 = arith.constant 0 : i32
    %dma_wait3A_117 = arith.constant 0 : i32
    %dma_wait3A_118 = tpu.memref_slice %arg3[%dma_wait3A_116, %dma_wait3A_117] : memref<320000x128xf32, #tpu.memory_space<hbm>> -> memref<128x128xf32, #tpu.memory_space<hbm>>
    tpu.wait_dma2 semaphore(%arg14 : memref<!tpu.dma_semaphore, #tpu.memory_space<semaphore_mem>>) src(%dma_wait3A_118 : memref<128x128xf32, #tpu.memory_space<hbm>>) dst(%arg10 : memref<128x128xf32, #tpu.memory_space<vmem>>)
    %dma_start3A_119 = arith.constant 0 : i32
    %dma_start3A_120 = arith.constant 0 : i32
    %dma_start3A_121 = tpu.memref_slice %arg11[%dma_start3A_119, %dma_start3A_120] : memref<10112x128xf32, #tpu.memory_space<vmem_shared>> -> memref<10112x128xf32, #tpu.memory_space<vmem_shared>>
    tpu.enqueue_indirect_dma source(%arg10 : memref<128x128xf32, #tpu.memory_space<vmem>>) target(%dma_start3A_121 : memref<10112x128xf32, #tpu.memory_space<vmem_shared>>) offsets(%arg7 : memref<128xi32, #tpu.memory_space<vmem>>) semaphore(%arg17 : memref<!tpu.dma_semaphore, #tpu.memory_space<semaphore_mem>>) {add = true}
    %dma_wait3A_122 = arith.constant 0 : i32
    %dma_wait3A_123 = arith.constant 0 : i32
    %dma_wait3A_124 = tpu.memref_slice %arg11[%dma_wait3A_122, %dma_wait3A_123] : memref<10112x128xf32, #tpu.memory_space<vmem_shared>> -> memref<10112x128xf32, #tpu.memory_space<vmem_shared>>
    tpu.wait_indirect_dma semaphore(%arg16 : memref<!tpu.dma_semaphore, #tpu.memory_space<semaphore_mem>>) src(%arg9 : memref<128x128xf32, #tpu.memory_space<vmem>>) dst(%dma_wait3A_124 : memref<10112x128xf32, #tpu.memory_space<vmem_shared>>)
    %add3A_125 = arith.constant 4 : i32
    %add3A_126 = arith.addi %mul3A_2, %add3A_125 : i32
    %mul3A_127 = arith.constant 128 : i32
    %mul3A_128 = arith.muli %add3A_126, %mul3A_127 : i32
    %dma_start3A_129 = arith.constant 0 : i32
    %dma_start3A_130 = tpu.memref_slice %arg2[%dma_start3A_129, %mul3A_128] : memref<2x320000xi32, #tpu.memory_space<hbm>> -> memref<1x128xi32, #tpu.memory_space<hbm>>
    %dma_start3A_131 = tpu.memref_squeeze %dma_start3A_130 : memref<1x128xi32, #tpu.memory_space<hbm>> -> memref<128xi32, #tpu.memory_space<hbm>>
    %dma_start3A_132 = tpu.memref_slice %arg2[%dma_start3A_129, %mul3A_128] : memref<2x320000xi32, #tpu.memory_space<hbm>> -> memref<1x128xi32, #tpu.memory_space<hbm>>
    %dma_start3A_133 = tpu.memref_squeeze %dma_start3A_132 : memref<1x128xi32, #tpu.memory_space<hbm>> -> memref<128xi32, #tpu.memory_space<hbm>>
    tpu.enqueue_dma source(%dma_start3A_133 : memref<128xi32, #tpu.memory_space<hbm>>) target(%arg6 : memref<128xi32, #tpu.memory_space<vmem>>) target_semaphore(%arg13 : memref<!tpu.dma_semaphore, #tpu.memory_space<semaphore_mem>>)
    %dma_start3A_134 = arith.constant 0 : i32
    %dma_start3A_135 = tpu.memref_slice %arg3[%mul3A_128, %dma_start3A_134] : memref<320000x128xf32, #tpu.memory_space<hbm>> -> memref<128x128xf32, #tpu.memory_space<hbm>>
    %dma_start3A_136 = arith.constant 0 : i32
    %dma_start3A_137 = tpu.memref_slice %arg3[%mul3A_128, %dma_start3A_136] : memref<320000x128xf32, #tpu.memory_space<hbm>> -> memref<128x128xf32, #tpu.memory_space<hbm>>
    tpu.enqueue_dma source(%dma_start3A_137 : memref<128x128xf32, #tpu.memory_space<hbm>>) target(%arg9 : memref<128x128xf32, #tpu.memory_space<vmem>>) target_semaphore(%arg13 : memref<!tpu.dma_semaphore, #tpu.memory_space<semaphore_mem>>)
    %scan3A_138 = arith.constant 0 : i32
    %scan3A_139 = arith.constant 1 : i32
    %scan3A_140 = arith.constant 24 : i32
    %scan3A_141 = arith.addi %scan3A_139, %scan3A_140 : i32
    %scan3A_142 = arith.constant 1 : i32
    scf.for %scan3A_230 = %scan3A_139 to %scan3A_141 step %scan3A_142  : i32 {
      %mul3A_231 = arith.constant 3 : i32
      %mul3A_232 = arith.muli %mul3A_231, %scan3A_230 : i32
      %dma_wait3A_233 = arith.constant 0 : i32
      %dma_wait3A_234 = arith.constant 0 : i32
      %dma_wait3A_235 = tpu.memref_slice %arg2[%dma_wait3A_233, %dma_wait3A_234] : memref<2x320000xi32, #tpu.memory_space<hbm>> -> memref<1x128xi32, #tpu.memory_space<hbm>>
      %dma_wait3A_236 = tpu.memref_squeeze %dma_wait3A_235 : memref<1x128xi32, #tpu.memory_space<hbm>> -> memref<128xi32, #tpu.memory_space<hbm>>
      %dma_wait3A_237 = arith.constant 0 : i32
      %dma_wait3A_238 = tpu.memref_slice %arg2[%dma_wait3A_233, %dma_wait3A_237] : memref<2x320000xi32, #tpu.memory_space<hbm>> -> memref<1x128xi32, #tpu.memory_space<hbm>>
      %dma_wait3A_239 = tpu.memref_squeeze %dma_wait3A_238 : memref<1x128xi32, #tpu.memory_space<hbm>> -> memref<128xi32, #tpu.memory_space<hbm>>
      tpu.wait_dma2 semaphore(%arg12 : memref<!tpu.dma_semaphore, #tpu.memory_space<semaphore_mem>>) src(%dma_wait3A_239 : memref<128xi32, #tpu.memory_space<hbm>>) dst(%arg5 : memref<128xi32, #tpu.memory_space<vmem>>)
      %dma_wait3A_240 = arith.constant 0 : i32
      %dma_wait3A_241 = arith.constant 0 : i32
      %dma_wait3A_242 = tpu.memref_slice %arg3[%dma_wait3A_240, %dma_wait3A_241] : memref<320000x128xf32, #tpu.memory_space<hbm>> -> memref<128x128xf32, #tpu.memory_space<hbm>>
      %dma_wait3A_243 = arith.constant 0 : i32
      %dma_wait3A_244 = arith.constant 0 : i32
      %dma_wait3A_245 = tpu.memref_slice %arg3[%dma_wait3A_243, %dma_wait3A_244] : memref<320000x128xf32, #tpu.memory_space<hbm>> -> memref<128x128xf32, #tpu.memory_space<hbm>>
      tpu.wait_dma2 semaphore(%arg12 : memref<!tpu.dma_semaphore, #tpu.memory_space<semaphore_mem>>) src(%dma_wait3A_245 : memref<128x128xf32, #tpu.memory_space<hbm>>) dst(%arg8 : memref<128x128xf32, #tpu.memory_space<vmem>>)
      %dma_start3A_246 = arith.constant 0 : i32
      %dma_start3A_247 = arith.constant 0 : i32
      %dma_start3A_248 = tpu.memref_slice %arg11[%dma_start3A_246, %dma_start3A_247] : memref<10112x128xf32, #tpu.memory_space<vmem_shared>> -> memref<10112x128xf32, #tpu.memory_space<vmem_shared>>
      tpu.enqueue_indirect_dma source(%arg8 : memref<128x128xf32, #tpu.memory_space<vmem>>) target(%dma_start3A_248 : memref<10112x128xf32, #tpu.memory_space<vmem_shared>>) offsets(%arg5 : memref<128xi32, #tpu.memory_space<vmem>>) semaphore(%arg15 : memref<!tpu.dma_semaphore, #tpu.memory_space<semaphore_mem>>) {add = true}
      %dma_wait3A_249 = arith.constant 0 : i32
      %dma_wait3A_250 = arith.constant 0 : i32
      %dma_wait3A_251 = tpu.memref_slice %arg11[%dma_wait3A_249, %dma_wait3A_250] : memref<10112x128xf32, #tpu.memory_space<vmem_shared>> -> memref<10112x128xf32, #tpu.memory_space<vmem_shared>>
      tpu.wait_indirect_dma semaphore(%arg17 : memref<!tpu.dma_semaphore, #tpu.memory_space<semaphore_mem>>) src(%arg10 : memref<128x128xf32, #tpu.memory_space<vmem>>) dst(%dma_wait3A_251 : memref<10112x128xf32, #tpu.memory_space<vmem_shared>>)
      %add3A_252 = arith.constant 0 : i32
      %add3A_253 = arith.addi %mul3A_232, %add3A_252 : i32
      %add3A_254 = arith.constant 2 : i32
      %add3A_255 = arith.addi %add3A_253, %add3A_254 : i32
      %add3A_256 = arith.addi %mul3A_2, %add3A_255 : i32
      %mul3A_257 = arith.constant 128 : i32
      %mul3A_258 = arith.muli %add3A_256, %mul3A_257 : i32
      %dma_start3A_259 = arith.constant 0 : i32
      %dma_start3A_260 = tpu.memref_slice %arg2[%dma_start3A_259, %mul3A_258] : memref<2x320000xi32, #tpu.memory_space<hbm>> -> memref<1x128xi32, #tpu.memory_space<hbm>>
      %dma_start3A_261 = tpu.memref_squeeze %dma_start3A_260 : memref<1x128xi32, #tpu.memory_space<hbm>> -> memref<128xi32, #tpu.memory_space<hbm>>
      %dma_start3A_262 = tpu.memref_slice %arg2[%dma_start3A_259, %mul3A_258] : memref<2x320000xi32, #tpu.memory_space<hbm>> -> memref<1x128xi32, #tpu.memory_space<hbm>>
      %dma_start3A_263 = tpu.memref_squeeze %dma_start3A_262 : memref<1x128xi32, #tpu.memory_space<hbm>> -> memref<128xi32, #tpu.memory_space<hbm>>
      tpu.enqueue_dma source(%dma_start3A_263 : memref<128xi32, #tpu.memory_space<hbm>>) target(%arg7 : memref<128xi32, #tpu.memory_space<vmem>>) target_semaphore(%arg14 : memref<!tpu.dma_semaphore, #tpu.memory_space<semaphore_mem>>)
      %dma_start3A_264 = arith.constant 0 : i32
      %dma_start3A_265 = tpu.memref_slice %arg3[%mul3A_258, %dma_start3A_264] : memref<320000x128xf32, #tpu.memory_space<hbm>> -> memref<128x128xf32, #tpu.memory_space<hbm>>
      %dma_start3A_266 = arith.constant 0 : i32
      %dma_start3A_267 = tpu.memref_slice %arg3[%mul3A_258, %dma_start3A_266] : memref<320000x128xf32, #tpu.memory_space<hbm>> -> memref<128x128xf32, #tpu.memory_space<hbm>>
      tpu.enqueue_dma source(%dma_start3A_267 : memref<128x128xf32, #tpu.memory_space<hbm>>) target(%arg10 : memref<128x128xf32, #tpu.memory_space<vmem>>) target_semaphore(%arg14 : memref<!tpu.dma_semaphore, #tpu.memory_space<semaphore_mem>>)
      %dma_wait3A_268 = arith.constant 0 : i32
      %dma_wait3A_269 = arith.constant 0 : i32
      %dma_wait3A_270 = tpu.memref_slice %arg2[%dma_wait3A_268, %dma_wait3A_269] : memref<2x320000xi32, #tpu.memory_space<hbm>> -> memref<1x128xi32, #tpu.memory_space<hbm>>
      %dma_wait3A_271 = tpu.memref_squeeze %dma_wait3A_270 : memref<1x128xi32, #tpu.memory_space<hbm>> -> memref<128xi32, #tpu.memory_space<hbm>>
      %dma_wait3A_272 = arith.constant 0 : i32
      %dma_wait3A_273 = tpu.memref_slice %arg2[%dma_wait3A_268, %dma_wait3A_272] : memref<2x320000xi32, #tpu.memory_space<hbm>> -> memref<1x128xi32, #tpu.memory_space<hbm>>
      %dma_wait3A_274 = tpu.memref_squeeze %dma_wait3A_273 : memref<1x128xi32, #tpu.memory_space<hbm>> -> memref<128xi32, #tpu.memory_space<hbm>>
      tpu.wait_dma2 semaphore(%arg13 : memref<!tpu.dma_semaphore, #tpu.memory_space<semaphore_mem>>) src(%dma_wait3A_274 : memref<128xi32, #tpu.memory_space<hbm>>) dst(%arg6 : memref<128xi32, #tpu.memory_space<vmem>>)
      %dma_wait3A_275 = arith.constant 0 : i32
      %dma_wait3A_276 = arith.constant 0 : i32
      %dma_wait3A_277 = tpu.memref_slice %arg3[%dma_wait3A_275, %dma_wait3A_276] : memref<320000x128xf32, #tpu.memory_space<hbm>> -> memref<128x128xf32, #tpu.memory_space<hbm>>
      %dma_wait3A_278 = arith.constant 0 : i32
      %dma_wait3A_279 = arith.constant 0 : i32
      %dma_wait3A_280 = tpu.memref_slice %arg3[%dma_wait3A_278, %dma_wait3A_279] : memref<320000x128xf32, #tpu.memory_space<hbm>> -> memref<128x128xf32, #tpu.memory_space<hbm>>
      tpu.wait_dma2 semaphore(%arg13 : memref<!tpu.dma_semaphore, #tpu.memory_space<semaphore_mem>>) src(%dma_wait3A_280 : memref<128x128xf32, #tpu.memory_space<hbm>>) dst(%arg9 : memref<128x128xf32, #tpu.memory_space<vmem>>)
      %dma_start3A_281 = arith.constant 0 : i32
      %dma_start3A_282 = arith.constant 0 : i32
      %dma_start3A_283 = tpu.memref_slice %arg11[%dma_start3A_281, %dma_start3A_282] : memref<10112x128xf32, #tpu.memory_space<vmem_shared>> -> memref<10112x128xf32, #tpu.memory_space<vmem_shared>>
      tpu.enqueue_indirect_dma source(%arg9 : memref<128x128xf32, #tpu.memory_space<vmem>>) target(%dma_start3A_283 : memref<10112x128xf32, #tpu.memory_space<vmem_shared>>) offsets(%arg6 : memref<128xi32, #tpu.memory_space<vmem>>) semaphore(%arg16 : memref<!tpu.dma_semaphore, #tpu.memory_space<semaphore_mem>>) {add = true}
      %dma_wait3A_284 = arith.constant 0 : i32
      %dma_wait3A_285 = arith.constant 0 : i32
      %dma_wait3A_286 = tpu.memref_slice %arg11[%dma_wait3A_284, %dma_wait3A_285] : memref<10112x128xf32, #tpu.memory_space<vmem_shared>> -> memref<10112x128xf32, #tpu.memory_space<vmem_shared>>
      tpu.wait_indirect_dma semaphore(%arg15 : memref<!tpu.dma_semaphore, #tpu.memory_space<semaphore_mem>>) src(%arg8 : memref<128x128xf32, #tpu.memory_space<vmem>>) dst(%dma_wait3A_286 : memref<10112x128xf32, #tpu.memory_space<vmem_shared>>)
      %add3A_287 = arith.constant 1 : i32
      %add3A_288 = arith.addi %mul3A_232, %add3A_287 : i32
      %add3A_289 = arith.constant 2 : i32
      %add3A_290 = arith.addi %add3A_288, %add3A_289 : i32
      %add3A_291 = arith.addi %mul3A_2, %add3A_290 : i32
      %mul3A_292 = arith.constant 128 : i32
      %mul3A_293 = arith.muli %add3A_291, %mul3A_292 : i32
      %dma_start3A_294 = arith.constant 0 : i32
      %dma_start3A_295 = tpu.memref_slice %arg2[%dma_start3A_294, %mul3A_293] : memref<2x320000xi32, #tpu.memory_space<hbm>> -> memref<1x128xi32, #tpu.memory_space<hbm>>
      %dma_start3A_296 = tpu.memref_squeeze %dma_start3A_295 : memref<1x128xi32, #tpu.memory_space<hbm>> -> memref<128xi32, #tpu.memory_space<hbm>>
      %dma_start3A_297 = tpu.memref_slice %arg2[%dma_start3A_294, %mul3A_293] : memref<2x320000xi32, #tpu.memory_space<hbm>> -> memref<1x128xi32, #tpu.memory_space<hbm>>
      %dma_start3A_298 = tpu.memref_squeeze %dma_start3A_297 : memref<1x128xi32, #tpu.memory_space<hbm>> -> memref<128xi32, #tpu.memory_space<hbm>>
      tpu.enqueue_dma source(%dma_start3A_298 : memref<128xi32, #tpu.memory_space<hbm>>) target(%arg5 : memref<128xi32, #tpu.memory_space<vmem>>) target_semaphore(%arg12 : memref<!tpu.dma_semaphore, #tpu.memory_space<semaphore_mem>>)
      %dma_start3A_299 = arith.constant 0 : i32
      %dma_start3A_300 = tpu.memref_slice %arg3[%mul3A_293, %dma_start3A_299] : memref<320000x128xf32, #tpu.memory_space<hbm>> -> memref<128x128xf32, #tpu.memory_space<hbm>>
      %dma_start3A_301 = arith.constant 0 : i32
      %dma_start3A_302 = tpu.memref_slice %arg3[%mul3A_293, %dma_start3A_301] : memref<320000x128xf32, #tpu.memory_space<hbm>> -> memref<128x128xf32, #tpu.memory_space<hbm>>
      tpu.enqueue_dma source(%dma_start3A_302 : memref<128x128xf32, #tpu.memory_space<hbm>>) target(%arg8 : memref<128x128xf32, #tpu.memory_space<vmem>>) target_semaphore(%arg12 : memref<!tpu.dma_semaphore, #tpu.memory_space<semaphore_mem>>)
      %dma_wait3A_303 = arith.constant 0 : i32
      %dma_wait3A_304 = arith.constant 0 : i32
      %dma_wait3A_305 = tpu.memref_slice %arg2[%dma_wait3A_303, %dma_wait3A_304] : memref<2x320000xi32, #tpu.memory_space<hbm>> -> memref<1x128xi32, #tpu.memory_space<hbm>>
      %dma_wait3A_306 = tpu.memref_squeeze %dma_wait3A_305 : memref<1x128xi32, #tpu.memory_space<hbm>> -> memref<128xi32, #tpu.memory_space<hbm>>
      %dma_wait3A_307 = arith.constant 0 : i32
      %dma_wait3A_308 = tpu.memref_slice %arg2[%dma_wait3A_303, %dma_wait3A_307] : memref<2x320000xi32, #tpu.memory_space<hbm>> -> memref<1x128xi32, #tpu.memory_space<hbm>>
      %dma_wait3A_309 = tpu.memref_squeeze %dma_wait3A_308 : memref<1x128xi32, #tpu.memory_space<hbm>> -> memref<128xi32, #tpu.memory_space<hbm>>
      tpu.wait_dma2 semaphore(%arg14 : memref<!tpu.dma_semaphore, #tpu.memory_space<semaphore_mem>>) src(%dma_wait3A_309 : memref<128xi32, #tpu.memory_space<hbm>>) dst(%arg7 : memref<128xi32, #tpu.memory_space<vmem>>)
      %dma_wait3A_310 = arith.constant 0 : i32
      %dma_wait3A_311 = arith.constant 0 : i32
      %dma_wait3A_312 = tpu.memref_slice %arg3[%dma_wait3A_310, %dma_wait3A_311] : memref<320000x128xf32, #tpu.memory_space<hbm>> -> memref<128x128xf32, #tpu.memory_space<hbm>>
      %dma_wait3A_313 = arith.constant 0 : i32
      %dma_wait3A_314 = arith.constant 0 : i32
      %dma_wait3A_315 = tpu.memref_slice %arg3[%dma_wait3A_313, %dma_wait3A_314] : memref<320000x128xf32, #tpu.memory_space<hbm>> -> memref<128x128xf32, #tpu.memory_space<hbm>>
      tpu.wait_dma2 semaphore(%arg14 : memref<!tpu.dma_semaphore, #tpu.memory_space<semaphore_mem>>) src(%dma_wait3A_315 : memref<128x128xf32, #tpu.memory_space<hbm>>) dst(%arg10 : memref<128x128xf32, #tpu.memory_space<vmem>>)
      %dma_start3A_316 = arith.constant 0 : i32
      %dma_start3A_317 = arith.constant 0 : i32
      %dma_start3A_318 = tpu.memref_slice %arg11[%dma_start3A_316, %dma_start3A_317] : memref<10112x128xf32, #tpu.memory_space<vmem_shared>> -> memref<10112x128xf32, #tpu.memory_space<vmem_shared>>
      tpu.enqueue_indirect_dma source(%arg10 : memref<128x128xf32, #tpu.memory_space<vmem>>) target(%dma_start3A_318 : memref<10112x128xf32, #tpu.memory_space<vmem_shared>>) offsets(%arg7 : memref<128xi32, #tpu.memory_space<vmem>>) semaphore(%arg17 : memref<!tpu.dma_semaphore, #tpu.memory_space<semaphore_mem>>) {add = true}
      %dma_wait3A_319 = arith.constant 0 : i32
      %dma_wait3A_320 = arith.constant 0 : i32
      %dma_wait3A_321 = tpu.memref_slice %arg11[%dma_wait3A_319, %dma_wait3A_320] : memref<10112x128xf32, #tpu.memory_space<vmem_shared>> -> memref<10112x128xf32, #tpu.memory_space<vmem_shared>>
      tpu.wait_indirect_dma semaphore(%arg16 : memref<!tpu.dma_semaphore, #tpu.memory_space<semaphore_mem>>) src(%arg9 : memref<128x128xf32, #tpu.memory_space<vmem>>) dst(%dma_wait3A_321 : memref<10112x128xf32, #tpu.memory_space<vmem_shared>>)
      %add3A_322 = arith.constant 2 : i32
      %add3A_323 = arith.addi %mul3A_232, %add3A_322 : i32
      %add3A_324 = arith.constant 2 : i32
      %add3A_325 = arith.addi %add3A_323, %add3A_324 : i32
      %add3A_326 = arith.addi %mul3A_2, %add3A_325 : i32
      %mul3A_327 = arith.constant 128 : i32
      %mul3A_328 = arith.muli %add3A_326, %mul3A_327 : i32
      %dma_start3A_329 = arith.constant 0 : i32
      %dma_start3A_330 = tpu.memref_slice %arg2[%dma_start3A_329, %mul3A_328] : memref<2x320000xi32, #tpu.memory_space<hbm>> -> memref<1x128xi32, #tpu.memory_space<hbm>>
      %dma_start3A_331 = tpu.memref_squeeze %dma_start3A_330 : memref<1x128xi32, #tpu.memory_space<hbm>> -> memref<128xi32, #tpu.memory_space<hbm>>
      %dma_start3A_332 = tpu.memref_slice %arg2[%dma_start3A_329, %mul3A_328] : memref<2x320000xi32, #tpu.memory_space<hbm>> -> memref<1x128xi32, #tpu.memory_space<hbm>>
      %dma_start3A_333 = tpu.memref_squeeze %dma_start3A_332 : memref<1x128xi32, #tpu.memory_space<hbm>> -> memref<128xi32, #tpu.memory_space<hbm>>
      tpu.enqueue_dma source(%dma_start3A_333 : memref<128xi32, #tpu.memory_space<hbm>>) target(%arg6 : memref<128xi32, #tpu.memory_space<vmem>>) target_semaphore(%arg13 : memref<!tpu.dma_semaphore, #tpu.memory_space<semaphore_mem>>)
      %dma_start3A_334 = arith.constant 0 : i32
      %dma_start3A_335 = tpu.memref_slice %arg3[%mul3A_328, %dma_start3A_334] : memref<320000x128xf32, #tpu.memory_space<hbm>> -> memref<128x128xf32, #tpu.memory_space<hbm>>
      %dma_start3A_336 = arith.constant 0 : i32
      %dma_start3A_337 = tpu.memref_slice %arg3[%mul3A_328, %dma_start3A_336] : memref<320000x128xf32, #tpu.memory_space<hbm>> -> memref<128x128xf32, #tpu.memory_space<hbm>>
      tpu.enqueue_dma source(%dma_start3A_337 : memref<128x128xf32, #tpu.memory_space<hbm>>) target(%arg9 : memref<128x128xf32, #tpu.memory_space<vmem>>) target_semaphore(%arg13 : memref<!tpu.dma_semaphore, #tpu.memory_space<semaphore_mem>>)
    }
    %scan3A_143 = arith.constant 24 : i32
    %dma_wait3A_144 = arith.constant 0 : i32
    %dma_wait3A_145 = arith.constant 0 : i32
    %dma_wait3A_146 = tpu.memref_slice %arg2[%dma_wait3A_144, %dma_wait3A_145] : memref<2x320000xi32, #tpu.memory_space<hbm>> -> memref<1x128xi32, #tpu.memory_space<hbm>>
    %dma_wait3A_147 = tpu.memref_squeeze %dma_wait3A_146 : memref<1x128xi32, #tpu.memory_space<hbm>> -> memref<128xi32, #tpu.memory_space<hbm>>
    %dma_wait3A_148 = arith.constant 0 : i32
    %dma_wait3A_149 = tpu.memref_slice %arg2[%dma_wait3A_144, %dma_wait3A_148] : memref<2x320000xi32, #tpu.memory_space<hbm>> -> memref<1x128xi32, #tpu.memory_space<hbm>>
    %dma_wait3A_150 = tpu.memref_squeeze %dma_wait3A_149 : memref<1x128xi32, #tpu.memory_space<hbm>> -> memref<128xi32, #tpu.memory_space<hbm>>
    tpu.wait_dma2 semaphore(%arg12 : memref<!tpu.dma_semaphore, #tpu.memory_space<semaphore_mem>>) src(%dma_wait3A_150 : memref<128xi32, #tpu.memory_space<hbm>>) dst(%arg5 : memref<128xi32, #tpu.memory_space<vmem>>)
    %dma_wait3A_151 = arith.constant 0 : i32
    %dma_wait3A_152 = arith.constant 0 : i32
    %dma_wait3A_153 = tpu.memref_slice %arg3[%dma_wait3A_151, %dma_wait3A_152] : memref<320000x128xf32, #tpu.memory_space<hbm>> -> memref<128x128xf32, #tpu.memory_space<hbm>>
    %dma_wait3A_154 = arith.constant 0 : i32
    %dma_wait3A_155 = arith.constant 0 : i32
    %dma_wait3A_156 = tpu.memref_slice %arg3[%dma_wait3A_154, %dma_wait3A_155] : memref<320000x128xf32, #tpu.memory_space<hbm>> -> memref<128x128xf32, #tpu.memory_space<hbm>>
    tpu.wait_dma2 semaphore(%arg12 : memref<!tpu.dma_semaphore, #tpu.memory_space<semaphore_mem>>) src(%dma_wait3A_156 : memref<128x128xf32, #tpu.memory_space<hbm>>) dst(%arg8 : memref<128x128xf32, #tpu.memory_space<vmem>>)
    %dma_start3A_157 = arith.constant 0 : i32
    %dma_start3A_158 = arith.constant 0 : i32
    %dma_start3A_159 = tpu.memref_slice %arg11[%dma_start3A_157, %dma_start3A_158] : memref<10112x128xf32, #tpu.memory_space<vmem_shared>> -> memref<10112x128xf32, #tpu.memory_space<vmem_shared>>
    tpu.enqueue_indirect_dma source(%arg8 : memref<128x128xf32, #tpu.memory_space<vmem>>) target(%dma_start3A_159 : memref<10112x128xf32, #tpu.memory_space<vmem_shared>>) offsets(%arg5 : memref<128xi32, #tpu.memory_space<vmem>>) semaphore(%arg15 : memref<!tpu.dma_semaphore, #tpu.memory_space<semaphore_mem>>) {add = true}
    %dma_wait3A_160 = arith.constant 0 : i32
    %dma_wait3A_161 = arith.constant 0 : i32
    %dma_wait3A_162 = tpu.memref_slice %arg11[%dma_wait3A_160, %dma_wait3A_161] : memref<10112x128xf32, #tpu.memory_space<vmem_shared>> -> memref<10112x128xf32, #tpu.memory_space<vmem_shared>>
    tpu.wait_indirect_dma semaphore(%arg17 : memref<!tpu.dma_semaphore, #tpu.memory_space<semaphore_mem>>) src(%arg10 : memref<128x128xf32, #tpu.memory_space<vmem>>) dst(%dma_wait3A_162 : memref<10112x128xf32, #tpu.memory_space<vmem_shared>>)
    %add3A_163 = arith.constant 77 : i32
    %add3A_164 = arith.addi %mul3A_2, %add3A_163 : i32
    %mul3A_165 = arith.constant 128 : i32
    %mul3A_166 = arith.muli %add3A_164, %mul3A_165 : i32
    %dma_start3A_167 = arith.constant 0 : i32
    %dma_start3A_168 = tpu.memref_slice %arg2[%dma_start3A_167, %mul3A_166] : memref<2x320000xi32, #tpu.memory_space<hbm>> -> memref<1x128xi32, #tpu.memory_space<hbm>>
    %dma_start3A_169 = tpu.memref_squeeze %dma_start3A_168 : memref<1x128xi32, #tpu.memory_space<hbm>> -> memref<128xi32, #tpu.memory_space<hbm>>
    %dma_start3A_170 = tpu.memref_slice %arg2[%dma_start3A_167, %mul3A_166] : memref<2x320000xi32, #tpu.memory_space<hbm>> -> memref<1x128xi32, #tpu.memory_space<hbm>>
    %dma_start3A_171 = tpu.memref_squeeze %dma_start3A_170 : memref<1x128xi32, #tpu.memory_space<hbm>> -> memref<128xi32, #tpu.memory_space<hbm>>
    tpu.enqueue_dma source(%dma_start3A_171 : memref<128xi32, #tpu.memory_space<hbm>>) target(%arg7 : memref<128xi32, #tpu.memory_space<vmem>>) target_semaphore(%arg14 : memref<!tpu.dma_semaphore, #tpu.memory_space<semaphore_mem>>)
    %dma_start3A_172 = arith.constant 0 : i32
    %dma_start3A_173 = tpu.memref_slice %arg3[%mul3A_166, %dma_start3A_172] : memref<320000x128xf32, #tpu.memory_space<hbm>> -> memref<128x128xf32, #tpu.memory_space<hbm>>
    %dma_start3A_174 = arith.constant 0 : i32
    %dma_start3A_175 = tpu.memref_slice %arg3[%mul3A_166, %dma_start3A_174] : memref<320000x128xf32, #tpu.memory_space<hbm>> -> memref<128x128xf32, #tpu.memory_space<hbm>>
    tpu.enqueue_dma source(%dma_start3A_175 : memref<128x128xf32, #tpu.memory_space<hbm>>) target(%arg10 : memref<128x128xf32, #tpu.memory_space<vmem>>) target_semaphore(%arg14 : memref<!tpu.dma_semaphore, #tpu.memory_space<semaphore_mem>>)
    %dma_wait3A_176 = arith.constant 0 : i32
    %dma_wait3A_177 = arith.constant 0 : i32
    %dma_wait3A_178 = tpu.memref_slice %arg2[%dma_wait3A_176, %dma_wait3A_177] : memref<2x320000xi32, #tpu.memory_space<hbm>> -> memref<1x128xi32, #tpu.memory_space<hbm>>
    %dma_wait3A_179 = tpu.memref_squeeze %dma_wait3A_178 : memref<1x128xi32, #tpu.memory_space<hbm>> -> memref<128xi32, #tpu.memory_space<hbm>>
    %dma_wait3A_180 = arith.constant 0 : i32
    %dma_wait3A_181 = tpu.memref_slice %arg2[%dma_wait3A_176, %dma_wait3A_180] : memref<2x320000xi32, #tpu.memory_space<hbm>> -> memref<1x128xi32, #tpu.memory_space<hbm>>
    %dma_wait3A_182 = tpu.memref_squeeze %dma_wait3A_181 : memref<1x128xi32, #tpu.memory_space<hbm>> -> memref<128xi32, #tpu.memory_space<hbm>>
    tpu.wait_dma2 semaphore(%arg13 : memref<!tpu.dma_semaphore, #tpu.memory_space<semaphore_mem>>) src(%dma_wait3A_182 : memref<128xi32, #tpu.memory_space<hbm>>) dst(%arg6 : memref<128xi32, #tpu.memory_space<vmem>>)
    %dma_wait3A_183 = arith.constant 0 : i32
    %dma_wait3A_184 = arith.constant 0 : i32
    %dma_wait3A_185 = tpu.memref_slice %arg3[%dma_wait3A_183, %dma_wait3A_184] : memref<320000x128xf32, #tpu.memory_space<hbm>> -> memref<128x128xf32, #tpu.memory_space<hbm>>
    %dma_wait3A_186 = arith.constant 0 : i32
    %dma_wait3A_187 = arith.constant 0 : i32
    %dma_wait3A_188 = tpu.memref_slice %arg3[%dma_wait3A_186, %dma_wait3A_187] : memref<320000x128xf32, #tpu.memory_space<hbm>> -> memref<128x128xf32, #tpu.memory_space<hbm>>
    tpu.wait_dma2 semaphore(%arg13 : memref<!tpu.dma_semaphore, #tpu.memory_space<semaphore_mem>>) src(%dma_wait3A_188 : memref<128x128xf32, #tpu.memory_space<hbm>>) dst(%arg9 : memref<128x128xf32, #tpu.memory_space<vmem>>)
    %dma_start3A_189 = arith.constant 0 : i32
    %dma_start3A_190 = arith.constant 0 : i32
    %dma_start3A_191 = tpu.memref_slice %arg11[%dma_start3A_189, %dma_start3A_190] : memref<10112x128xf32, #tpu.memory_space<vmem_shared>> -> memref<10112x128xf32, #tpu.memory_space<vmem_shared>>
    tpu.enqueue_indirect_dma source(%arg9 : memref<128x128xf32, #tpu.memory_space<vmem>>) target(%dma_start3A_191 : memref<10112x128xf32, #tpu.memory_space<vmem_shared>>) offsets(%arg6 : memref<128xi32, #tpu.memory_space<vmem>>) semaphore(%arg16 : memref<!tpu.dma_semaphore, #tpu.memory_space<semaphore_mem>>) {add = true}
    %dma_wait3A_192 = arith.constant 0 : i32
    %dma_wait3A_193 = arith.constant 0 : i32
    %dma_wait3A_194 = tpu.memref_slice %arg11[%dma_wait3A_192, %dma_wait3A_193] : memref<10112x128xf32, #tpu.memory_space<vmem_shared>> -> memref<10112x128xf32, #tpu.memory_space<vmem_shared>>
    tpu.wait_indirect_dma semaphore(%arg15 : memref<!tpu.dma_semaphore, #tpu.memory_space<semaphore_mem>>) src(%arg8 : memref<128x128xf32, #tpu.memory_space<vmem>>) dst(%dma_wait3A_194 : memref<10112x128xf32, #tpu.memory_space<vmem_shared>>)
    %lt3A = arith.constant 4 : i32
    %lt3A_195 = arith.cmpi slt, %add3A, %lt3A : i32
    %convert_element_type3A = arith.extui %lt3A_195 : i1 to i32
    %cond3A = arith.constant 0 : i32
    %cond3A_196 = arith.cmpi ne, %convert_element_type3A, %cond3A : i32
    scf.if %cond3A_196 {
      %add3A_230 = arith.constant 2496 : i32
      %add3A_231 = arith.addi %add3A_230, %add3A : i32
      %mul3A_232 = arith.constant 128 : i32
      %mul3A_233 = arith.muli %add3A_231, %mul3A_232 : i32
      %dma_start3A_234 = arith.constant 0 : i32
      %dma_start3A_235 = tpu.memref_slice %arg2[%dma_start3A_234, %mul3A_233] : memref<2x320000xi32, #tpu.memory_space<hbm>> -> memref<1x128xi32, #tpu.memory_space<hbm>>
      %dma_start3A_236 = tpu.memref_squeeze %dma_start3A_235 : memref<1x128xi32, #tpu.memory_space<hbm>> -> memref<128xi32, #tpu.memory_space<hbm>>
      %dma_start3A_237 = tpu.memref_slice %arg2[%dma_start3A_234, %mul3A_233] : memref<2x320000xi32, #tpu.memory_space<hbm>> -> memref<1x128xi32, #tpu.memory_space<hbm>>
      %dma_start3A_238 = tpu.memref_squeeze %dma_start3A_237 : memref<1x128xi32, #tpu.memory_space<hbm>> -> memref<128xi32, #tpu.memory_space<hbm>>
      tpu.enqueue_dma source(%dma_start3A_238 : memref<128xi32, #tpu.memory_space<hbm>>) target(%arg5 : memref<128xi32, #tpu.memory_space<vmem>>) target_semaphore(%arg12 : memref<!tpu.dma_semaphore, #tpu.memory_space<semaphore_mem>>)
      %dma_start3A_239 = arith.constant 0 : i32
      %dma_start3A_240 = tpu.memref_slice %arg3[%mul3A_233, %dma_start3A_239] : memref<320000x128xf32, #tpu.memory_space<hbm>> -> memref<128x128xf32, #tpu.memory_space<hbm>>
      %dma_start3A_241 = arith.constant 0 : i32
      %dma_start3A_242 = tpu.memref_slice %arg3[%mul3A_233, %dma_start3A_241] : memref<320000x128xf32, #tpu.memory_space<hbm>> -> memref<128x128xf32, #tpu.memory_space<hbm>>
      tpu.enqueue_dma source(%dma_start3A_242 : memref<128x128xf32, #tpu.memory_space<hbm>>) target(%arg8 : memref<128x128xf32, #tpu.memory_space<vmem>>) target_semaphore(%arg12 : memref<!tpu.dma_semaphore, #tpu.memory_space<semaphore_mem>>)
    } else {
    }
    %dma_wait3A_197 = arith.constant 0 : i32
    %dma_wait3A_198 = arith.constant 0 : i32
    %dma_wait3A_199 = tpu.memref_slice %arg2[%dma_wait3A_197, %dma_wait3A_198] : memref<2x320000xi32, #tpu.memory_space<hbm>> -> memref<1x128xi32, #tpu.memory_space<hbm>>
    %dma_wait3A_200 = tpu.memref_squeeze %dma_wait3A_199 : memref<1x128xi32, #tpu.memory_space<hbm>> -> memref<128xi32, #tpu.memory_space<hbm>>
    %dma_wait3A_201 = arith.constant 0 : i32
    %dma_wait3A_202 = tpu.memref_slice %arg2[%dma_wait3A_197, %dma_wait3A_201] : memref<2x320000xi32, #tpu.memory_space<hbm>> -> memref<1x128xi32, #tpu.memory_space<hbm>>
    %dma_wait3A_203 = tpu.memref_squeeze %dma_wait3A_202 : memref<1x128xi32, #tpu.memory_space<hbm>> -> memref<128xi32, #tpu.memory_space<hbm>>
    tpu.wait_dma2 semaphore(%arg14 : memref<!tpu.dma_semaphore, #tpu.memory_space<semaphore_mem>>) src(%dma_wait3A_203 : memref<128xi32, #tpu.memory_space<hbm>>) dst(%arg7 : memref<128xi32, #tpu.memory_space<vmem>>)
    %dma_wait3A_204 = arith.constant 0 : i32
    %dma_wait3A_205 = arith.constant 0 : i32
    %dma_wait3A_206 = tpu.memref_slice %arg3[%dma_wait3A_204, %dma_wait3A_205] : memref<320000x128xf32, #tpu.memory_space<hbm>> -> memref<128x128xf32, #tpu.memory_space<hbm>>
    %dma_wait3A_207 = arith.constant 0 : i32
    %dma_wait3A_208 = arith.constant 0 : i32
    %dma_wait3A_209 = tpu.memref_slice %arg3[%dma_wait3A_207, %dma_wait3A_208] : memref<320000x128xf32, #tpu.memory_space<hbm>> -> memref<128x128xf32, #tpu.memory_space<hbm>>
    tpu.wait_dma2 semaphore(%arg14 : memref<!tpu.dma_semaphore, #tpu.memory_space<semaphore_mem>>) src(%dma_wait3A_209 : memref<128x128xf32, #tpu.memory_space<hbm>>) dst(%arg10 : memref<128x128xf32, #tpu.memory_space<vmem>>)
    %dma_start3A_210 = arith.constant 0 : i32
    %dma_start3A_211 = arith.constant 0 : i32
    %dma_start3A_212 = tpu.memref_slice %arg11[%dma_start3A_210, %dma_start3A_211] : memref<10112x128xf32, #tpu.memory_space<vmem_shared>> -> memref<10112x128xf32, #tpu.memory_space<vmem_shared>>
    tpu.enqueue_indirect_dma source(%arg10 : memref<128x128xf32, #tpu.memory_space<vmem>>) target(%dma_start3A_212 : memref<10112x128xf32, #tpu.memory_space<vmem_shared>>) offsets(%arg7 : memref<128xi32, #tpu.memory_space<vmem>>) semaphore(%arg17 : memref<!tpu.dma_semaphore, #tpu.memory_space<semaphore_mem>>) {add = true}
    %dma_wait3A_213 = arith.constant 0 : i32
    %dma_wait3A_214 = arith.constant 0 : i32
    %dma_wait3A_215 = tpu.memref_slice %arg11[%dma_wait3A_213, %dma_wait3A_214] : memref<10112x128xf32, #tpu.memory_space<vmem_shared>> -> memref<10112x128xf32, #tpu.memory_space<vmem_shared>>
    tpu.wait_indirect_dma semaphore(%arg16 : memref<!tpu.dma_semaphore, #tpu.memory_space<semaphore_mem>>) src(%arg9 : memref<128x128xf32, #tpu.memory_space<vmem>>) dst(%dma_wait3A_215 : memref<10112x128xf32, #tpu.memory_space<vmem_shared>>)
    %lt3A_216 = arith.constant 4 : i32
    %lt3A_217 = arith.cmpi slt, %add3A, %lt3A_216 : i32
    %convert_element_type3A_218 = arith.extui %lt3A_217 : i1 to i32
    %cond3A_219 = arith.constant 0 : i32
    %cond3A_220 = arith.cmpi ne, %convert_element_type3A_218, %cond3A_219 : i32
    scf.if %cond3A_220 {
      %dma_wait3A_230 = arith.constant 0 : i32
      %dma_wait3A_231 = arith.constant 0 : i32
      %dma_wait3A_232 = tpu.memref_slice %arg2[%dma_wait3A_230, %dma_wait3A_231] : memref<2x320000xi32, #tpu.memory_space<hbm>> -> memref<1x128xi32, #tpu.memory_space<hbm>>
      %dma_wait3A_233 = tpu.memref_squeeze %dma_wait3A_232 : memref<1x128xi32, #tpu.memory_space<hbm>> -> memref<128xi32, #tpu.memory_space<hbm>>
      %dma_wait3A_234 = arith.constant 0 : i32
      %dma_wait3A_235 = tpu.memref_slice %arg2[%dma_wait3A_230, %dma_wait3A_234] : memref<2x320000xi32, #tpu.memory_space<hbm>> -> memref<1x128xi32, #tpu.memory_space<hbm>>
      %dma_wait3A_236 = tpu.memref_squeeze %dma_wait3A_235 : memref<1x128xi32, #tpu.memory_space<hbm>> -> memref<128xi32, #tpu.memory_space<hbm>>
      tpu.wait_dma2 semaphore(%arg12 : memref<!tpu.dma_semaphore, #tpu.memory_space<semaphore_mem>>) src(%dma_wait3A_236 : memref<128xi32, #tpu.memory_space<hbm>>) dst(%arg5 : memref<128xi32, #tpu.memory_space<vmem>>)
      %dma_wait3A_237 = arith.constant 0 : i32
      %dma_wait3A_238 = arith.constant 0 : i32
      %dma_wait3A_239 = tpu.memref_slice %arg3[%dma_wait3A_237, %dma_wait3A_238] : memref<320000x128xf32, #tpu.memory_space<hbm>> -> memref<128x128xf32, #tpu.memory_space<hbm>>
      %dma_wait3A_240 = arith.constant 0 : i32
      %dma_wait3A_241 = arith.constant 0 : i32
      %dma_wait3A_242 = tpu.memref_slice %arg3[%dma_wait3A_240, %dma_wait3A_241] : memref<320000x128xf32, #tpu.memory_space<hbm>> -> memref<128x128xf32, #tpu.memory_space<hbm>>
      tpu.wait_dma2 semaphore(%arg12 : memref<!tpu.dma_semaphore, #tpu.memory_space<semaphore_mem>>) src(%dma_wait3A_242 : memref<128x128xf32, #tpu.memory_space<hbm>>) dst(%arg8 : memref<128x128xf32, #tpu.memory_space<vmem>>)
      %dma_start3A_243 = arith.constant 0 : i32
      %dma_start3A_244 = arith.constant 0 : i32
      %dma_start3A_245 = tpu.memref_slice %arg11[%dma_start3A_243, %dma_start3A_244] : memref<10112x128xf32, #tpu.memory_space<vmem_shared>> -> memref<10112x128xf32, #tpu.memory_space<vmem_shared>>
      tpu.enqueue_indirect_dma source(%arg8 : memref<128x128xf32, #tpu.memory_space<vmem>>) target(%dma_start3A_245 : memref<10112x128xf32, #tpu.memory_space<vmem_shared>>) offsets(%arg5 : memref<128xi32, #tpu.memory_space<vmem>>) semaphore(%arg15 : memref<!tpu.dma_semaphore, #tpu.memory_space<semaphore_mem>>) {add = true}
    } else {
    }
    %dma_wait3A_221 = arith.constant 0 : i32
    %dma_wait3A_222 = arith.constant 0 : i32
    %dma_wait3A_223 = tpu.memref_slice %arg11[%dma_wait3A_221, %dma_wait3A_222] : memref<10112x128xf32, #tpu.memory_space<vmem_shared>> -> memref<10112x128xf32, #tpu.memory_space<vmem_shared>>
    tpu.wait_indirect_dma semaphore(%arg17 : memref<!tpu.dma_semaphore, #tpu.memory_space<semaphore_mem>>) src(%arg10 : memref<128x128xf32, #tpu.memory_space<vmem>>) dst(%dma_wait3A_223 : memref<10112x128xf32, #tpu.memory_space<vmem_shared>>)
    %lt3A_224 = arith.constant 4 : i32
    %lt3A_225 = arith.cmpi slt, %add3A, %lt3A_224 : i32
    %convert_element_type3A_226 = arith.extui %lt3A_225 : i1 to i32
    %cond3A_227 = arith.constant 0 : i32
    %cond3A_228 = arith.cmpi ne, %convert_element_type3A_226, %cond3A_227 : i32
    scf.if %cond3A_228 {
      %dma_wait3A_230 = arith.constant 0 : i32
      %dma_wait3A_231 = arith.constant 0 : i32
      %dma_wait3A_232 = tpu.memref_slice %arg11[%dma_wait3A_230, %dma_wait3A_231] : memref<10112x128xf32, #tpu.memory_space<vmem_shared>> -> memref<10112x128xf32, #tpu.memory_space<vmem_shared>>
      tpu.wait_indirect_dma semaphore(%arg15 : memref<!tpu.dma_semaphore, #tpu.memory_space<semaphore_mem>>) src(%arg8 : memref<128x128xf32, #tpu.memory_space<vmem>>) dst(%dma_wait3A_232 : memref<10112x128xf32, #tpu.memory_space<vmem_shared>>)
    } else {
    }
    %barrier3A_229 = arith.constant 0 : index
    tpu.barrier barrier_id(%barrier3A_229)
    "tpu.region"() ({
      %run_scoped3A = tpu.sem_alloc : memref<!tpu.dma_semaphore, #tpu.memory_space<semaphore_mem>>
      %dma_start3A_230 = arith.constant 0 : i32
      %dma_start3A_231 = tpu.memref_slice %arg4[%arg0, %mul3A_34, %dma_start3A_230] : memref<2x10112x128xf32, #tpu.memory_space<hbm>> -> memref<1x632x128xf32, #tpu.memory_space<hbm>>
      %dma_start3A_232 = tpu.memref_squeeze %dma_start3A_231 : memref<1x632x128xf32, #tpu.memory_space<hbm>> -> memref<632x128xf32, #tpu.memory_space<hbm>>
      %dma_start3A_233 = arith.constant 0 : i32
      %dma_start3A_234 = tpu.memref_slice %arg11[%mul3A_34, %dma_start3A_233] : memref<10112x128xf32, #tpu.memory_space<vmem_shared>> -> memref<632x128xf32, #tpu.memory_space<vmem_shared>>
      tpu.enqueue_dma source(%dma_start3A_234 : memref<632x128xf32, #tpu.memory_space<vmem_shared>>) target(%dma_start3A_232 : memref<632x128xf32, #tpu.memory_space<hbm>>) target_semaphore(%run_scoped3A : memref<!tpu.dma_semaphore, #tpu.memory_space<semaphore_mem>>)
      %dma_wait3A_235 = arith.constant 0 : i32
      %dma_wait3A_236 = tpu.memref_slice %arg4[%arg0, %mul3A_34, %dma_wait3A_235] : memref<2x10112x128xf32, #tpu.memory_space<hbm>> -> memref<1x632x128xf32, #tpu.memory_space<hbm>>
      %dma_wait3A_237 = tpu.memref_squeeze %dma_wait3A_236 : memref<1x632x128xf32, #tpu.memory_space<hbm>> -> memref<632x128xf32, #tpu.memory_space<hbm>>
      %dma_wait3A_238 = arith.constant 0 : i32
      %dma_wait3A_239 = tpu.memref_slice %arg11[%mul3A_34, %dma_wait3A_238] : memref<10112x128xf32, #tpu.memory_space<vmem_shared>> -> memref<632x128xf32, #tpu.memory_space<vmem_shared>>
      tpu.wait_dma2 semaphore(%run_scoped3A : memref<!tpu.dma_semaphore, #tpu.memory_space<semaphore_mem>>) src(%dma_wait3A_239 : memref<632x128xf32, #tpu.memory_space<vmem_shared>>) dst(%dma_wait3A_237 : memref<632x128xf32, #tpu.memory_space<hbm>>)
      tpu.yield
    }) : () -> ()
    return
  }
}

module attributes {stable_mosaic.version = 14 : i64} {
  func.func @_mlp_body(%arg0: i32, %arg1: memref<2000x128xf32, #tpu.memory_space<vmem>>, %arg2: memref<2x2000x128xf32, #tpu.memory_space<vmem>>, %arg3: memref<256x128xf32, #tpu.memory_space<vmem>>, %arg4: memref<1x128xf32, #tpu.memory_space<vmem>>, %arg5: memref<128x128xf32, #tpu.memory_space<vmem>>, %arg6: memref<1x128xf32, #tpu.memory_space<vmem>>, %arg7: memref<1x128xf32, #tpu.memory_space<vmem>>, %arg8: memref<1x128xf32, #tpu.memory_space<vmem>>, %arg9: memref<2000x128xf32, #tpu.memory_space<vmem>>) attributes {dimension_semantics = [#tpu.dimension_semantics<arbitrary>], iteration_bounds = array<i64: 5>, scalar_prefetch = 0 : i64, scratch_operands = 0 : i64, tpu.core_type = #tpu.core_type<tc>, window_params = [{transform_indices = @transform_0, window_bounds = array<i64: 2000, 128>}, {transform_indices = @transform_1, window_bounds = array<i64: 2, 2000, 128>}, {pipeline_mode = #tpu.pipeline_mode<synchronous>, transform_indices = @transform_2, window_bounds = array<i64: 256, 128>}, {pipeline_mode = #tpu.pipeline_mode<synchronous>, transform_indices = @transform_3, window_bounds = array<i64: 1, 128>}, {pipeline_mode = #tpu.pipeline_mode<synchronous>, transform_indices = @transform_4, window_bounds = array<i64: 128, 128>}, {pipeline_mode = #tpu.pipeline_mode<synchronous>, transform_indices = @transform_5, window_bounds = array<i64: 1, 128>}, {pipeline_mode = #tpu.pipeline_mode<synchronous>, transform_indices = @transform_6, window_bounds = array<i64: 1, 128>}, {pipeline_mode = #tpu.pipeline_mode<synchronous>, transform_indices = @transform_7, window_bounds = array<i64: 1, 128>}, {transform_indices = @transform_8, window_bounds = array<i64: 2000, 128>}]} {
    %get3A = arith.constant 0 : index
    %get3A_0 = arith.constant 0 : index
    %get3A_1 = vector.load %arg1[%get3A, %get3A_0] : memref<2000x128xf32, #tpu.memory_space<vmem>>, vector<2000x128xf32>
    %get3A_2 = arith.constant 0 : index
    %get3A_3 = arith.constant 0 : index
    %get3A_4 = arith.constant 0 : index
    %get3A_5 = vector.load %arg2[%get3A_2, %get3A_3, %get3A_4] : memref<2x2000x128xf32, #tpu.memory_space<vmem>>, vector<1x2000x128xf32>
    %get3A_6 = vector.shape_cast %get3A_5 : vector<1x2000x128xf32> to vector<2000x128xf32>
    %get3A_7 = arith.constant 1 : index
    %get3A_8 = arith.constant 0 : index
    %get3A_9 = arith.constant 0 : index
    %get3A_10 = vector.load %arg2[%get3A_7, %get3A_8, %get3A_9] : memref<2x2000x128xf32, #tpu.memory_space<vmem>>, vector<1x2000x128xf32>
    %get3A_11 = vector.shape_cast %get3A_10 : vector<1x2000x128xf32> to vector<2000x128xf32>
    %add3A = arith.addf %get3A_6, %get3A_11 : vector<2000x128xf32>
    %concatenate3A = tpu.concatenate %get3A_1, %add3A in 1 : vector<2000x128xf32>, vector<2000x128xf32> -> vector<2000x256xf32>
    %get3A_12 = arith.constant 0 : index
    %get3A_13 = arith.constant 0 : index
    %get3A_14 = vector.load %arg3[%get3A_12, %get3A_13] : memref<256x128xf32, #tpu.memory_space<vmem>>, vector<256x128xf32>
    %dot_general3A = arith.constant dense<0.000000e+00> : vector<2000x128xf32>
    %dot_general3A_15 = tpu.matmul %concatenate3A, %get3A_14, %dot_general3A {dimension_numbers = #tpu.dot_dimension_numbers<[1], [0], [0], [1], [0, 0, 1, 1], [], []>, transpose_lhs_hint = false} : vector<2000x256xf32>, vector<256x128xf32>, vector<2000x128xf32> -> vector<2000x128xf32>
    %get3A_16 = arith.constant 0 : index
    %get3A_17 = arith.constant 0 : index
    %get3A_18 = vector.load %arg4[%get3A_16, %get3A_17] : memref<1x128xf32, #tpu.memory_space<vmem>>, vector<1x128xf32>
    %add3A_19 = vector.broadcast %get3A_18 : vector<1x128xf32> to vector<2000x128xf32>
    %add3A_20 = arith.addf %dot_general3A_15, %add3A_19 : vector<2000x128xf32>
    %logistic3A = arith.negf %add3A_20 : vector<2000x128xf32>
    %logistic3A_21 = math.exp %logistic3A : vector<2000x128xf32>
    %logistic3A_22 = arith.constant 1.000000e+00 : f32
    %logistic3A_23 = vector.broadcast %logistic3A_22 : f32 to vector<2000x128xf32>
    %logistic3A_24 = arith.addf %logistic3A_23, %logistic3A_21 : vector<2000x128xf32>
    %logistic3A_25 = arith.divf %logistic3A_23, %logistic3A_24 : vector<2000x128xf32>
    %mul3A = arith.mulf %add3A_20, %logistic3A_25 : vector<2000x128xf32>
    %get3A_26 = arith.constant 0 : index
    %get3A_27 = arith.constant 0 : index
    %get3A_28 = vector.load %arg5[%get3A_26, %get3A_27] : memref<128x128xf32, #tpu.memory_space<vmem>>, vector<128x128xf32>
    %dot_general3A_29 = arith.constant dense<0.000000e+00> : vector<2000x128xf32>
    %dot_general3A_30 = tpu.matmul %mul3A, %get3A_28, %dot_general3A_29 {dimension_numbers = #tpu.dot_dimension_numbers<[1], [0], [0], [1], [0, 0, 1, 1], [], []>, transpose_lhs_hint = false} : vector<2000x128xf32>, vector<128x128xf32>, vector<2000x128xf32> -> vector<2000x128xf32>
    %get3A_31 = arith.constant 0 : index
    %get3A_32 = arith.constant 0 : index
    %get3A_33 = vector.load %arg6[%get3A_31, %get3A_32] : memref<1x128xf32, #tpu.memory_space<vmem>>, vector<1x128xf32>
    %add3A_34 = vector.broadcast %get3A_33 : vector<1x128xf32> to vector<2000x128xf32>
    %add3A_35 = arith.addf %dot_general3A_30, %add3A_34 : vector<2000x128xf32>
    %reduce_sum3A = arith.constant dense<0.000000e+00> : vector<2000xf32>
    %reduce_sum3A_36 = vector.multi_reduction <add>, %add3A_35, %reduce_sum3A [1] : vector<2000x128xf32> to vector<2000xf32>
    %broadcast_in_dim3A = vector.shape_cast %reduce_sum3A_36 : vector<2000xf32> to vector<2000x1xf32>
    %div3A = arith.constant 1.280000e+02 : f32
    %div3A_37 = vector.broadcast %div3A : f32 to vector<2000x1xf32>
    %div3A_38 = arith.divf %broadcast_in_dim3A, %div3A_37 : vector<2000x1xf32>
    %sub3A = vector.broadcast %div3A_38 : vector<2000x1xf32> to vector<2000x128xf32>
    %sub3A_39 = arith.subf %add3A_35, %sub3A : vector<2000x128xf32>
    %mul3A_40 = arith.mulf %sub3A_39, %sub3A_39 : vector<2000x128xf32>
    %reduce_sum3A_41 = arith.constant dense<0.000000e+00> : vector<2000xf32>
    %reduce_sum3A_42 = vector.multi_reduction <add>, %mul3A_40, %reduce_sum3A_41 [1] : vector<2000x128xf32> to vector<2000xf32>
    %broadcast_in_dim3A_43 = vector.shape_cast %reduce_sum3A_42 : vector<2000xf32> to vector<2000x1xf32>
    %div3A_44 = arith.constant 1.280000e+02 : f32
    %div3A_45 = vector.broadcast %div3A_44 : f32 to vector<2000x1xf32>
    %div3A_46 = arith.divf %broadcast_in_dim3A_43, %div3A_45 : vector<2000x1xf32>
    %add3A_47 = arith.constant 9.99999974E-6 : f32
    %add3A_48 = vector.broadcast %add3A_47 : f32 to vector<2000x1xf32>
    %add3A_49 = arith.addf %div3A_46, %add3A_48 : vector<2000x1xf32>
    %rsqrt3A = math.rsqrt %add3A_49 : vector<2000x1xf32>
    %mul3A_50 = vector.broadcast %rsqrt3A : vector<2000x1xf32> to vector<2000x128xf32>
    %mul3A_51 = arith.mulf %sub3A_39, %mul3A_50 : vector<2000x128xf32>
    %get3A_52 = arith.constant 0 : index
    %get3A_53 = arith.constant 0 : index
    %get3A_54 = vector.load %arg7[%get3A_52, %get3A_53] : memref<1x128xf32, #tpu.memory_space<vmem>>, vector<1x128xf32>
    %mul3A_55 = vector.broadcast %get3A_54 : vector<1x128xf32> to vector<2000x128xf32>
    %mul3A_56 = arith.mulf %mul3A_51, %mul3A_55 : vector<2000x128xf32>
    %get3A_57 = arith.constant 0 : index
    %get3A_58 = arith.constant 0 : index
    %get3A_59 = vector.load %arg8[%get3A_57, %get3A_58] : memref<1x128xf32, #tpu.memory_space<vmem>>, vector<1x128xf32>
    %add3A_60 = vector.broadcast %get3A_59 : vector<1x128xf32> to vector<2000x128xf32>
    %add3A_61 = arith.addf %mul3A_56, %add3A_60 : vector<2000x128xf32>
    %add3A_62 = arith.addf %add3A_61, %get3A_1 : vector<2000x128xf32>
    %swap3A = arith.constant 0 : index
    %swap3A_63 = arith.constant 0 : index
    %swap3A_64 = vector.load %arg9[%swap3A, %swap3A_63] : memref<2000x128xf32, #tpu.memory_space<vmem>>, vector<2000x128xf32>
    tpu.vector_store %arg9[%swap3A, %swap3A_63], %add3A_62 {strides = array<i32>} : memref<2000x128xf32, #tpu.memory_space<vmem>>, vector<2000x128xf32>,
    return
  }
  func.func @transform_0(%arg0: i32) -> (i32, i32) {
    %c0_i32 = arith.constant 0 : i32
    %c0_i32_0 = arith.constant 0 : i32
    return %arg0, %c0_i32 : i32, i32
  }
  func.func @transform_1(%arg0: i32) -> (i32, i32, i32) {
    %c0_i32 = arith.constant 0 : i32
    %c0_i32_0 = arith.constant 0 : i32
    %c0_i32_1 = arith.constant 0 : i32
    return %c0_i32, %arg0, %c0_i32_0 : i32, i32, i32
  }
  func.func @transform_2(%arg0: i32) -> (i32, i32) {
    %c0_i32 = arith.constant 0 : i32
    %c0_i32_0 = arith.constant 0 : i32
    %c0_i32_1 = arith.constant 0 : i32
    return %c0_i32, %c0_i32_0 : i32, i32
  }
  func.func @transform_3(%arg0: i32) -> (i32, i32) {
    %c0_i32 = arith.constant 0 : i32
    %c0_i32_0 = arith.constant 0 : i32
    %c0_i32_1 = arith.constant 0 : i32
    return %c0_i32, %c0_i32_0 : i32, i32
  }
  func.func @transform_4(%arg0: i32) -> (i32, i32) {
    %c0_i32 = arith.constant 0 : i32
    %c0_i32_0 = arith.constant 0 : i32
    %c0_i32_1 = arith.constant 0 : i32
    return %c0_i32, %c0_i32_0 : i32, i32
  }
  func.func @transform_5(%arg0: i32) -> (i32, i32) {
    %c0_i32 = arith.constant 0 : i32
    %c0_i32_0 = arith.constant 0 : i32
    %c0_i32_1 = arith.constant 0 : i32
    return %c0_i32, %c0_i32_0 : i32, i32
  }
  func.func @transform_6(%arg0: i32) -> (i32, i32) {
    %c0_i32 = arith.constant 0 : i32
    %c0_i32_0 = arith.constant 0 : i32
    %c0_i32_1 = arith.constant 0 : i32
    return %c0_i32, %c0_i32_0 : i32, i32
  }
  func.func @transform_7(%arg0: i32) -> (i32, i32) {
    %c0_i32 = arith.constant 0 : i32
    %c0_i32_0 = arith.constant 0 : i32
    %c0_i32_1 = arith.constant 0 : i32
    return %c0_i32, %c0_i32_0 : i32, i32
  }
  func.func @transform_8(%arg0: i32) -> (i32, i32) {
    %c0_i32 = arith.constant 0 : i32
    %c0_i32_0 = arith.constant 0 : i32
    return %arg0, %c0_i32 : i32, i32
  }
}

</mosaic_0001>

<sc_bundles>
// kernel: kernel.4.cloned.1.call-start
scs
__scs_entry_jumppad:
0x0: {  	(pc) =	sbr.rel $0x88, $3  }
0x1: {  	(tag) =	ssettag $0x0;
	lr =	simm.s32 $0x1  }
0x2: {  	[smem:$0x3F98] =	sst lr;
	_ =	strace $0xD0000000  }
0x3: {  	_ = 	snop  }
0x4: {  	_ = 	snop  }
0x5: {  	_ = 	snop  }
0x6: {  	_ = 	snop  }
0x7: {  	_ = 	snop  }
__scs_overlays_trampoline_lowered:
0x8: {  	[smem:$0x3FA7] =	sst s0  }
0x9: {  	[smem:$0x3FA8] =	sst s1  }
0xa: {  	[smem:$0x3FA9] =	sst s2  }
0xb: {  	[smem:$0x3FAA] =	sst s3  }
0xc: {  	[smem:$0x3FAB] =	sst s4  }
0xd: {  	[smem:$0x3FAC] =	sst s5  }
0xe: {  	[smem:$0x3FAD] =	sst s6  }
0xf: {  	[smem:$0x3FAE] =	sst s7  }
0x10: {  	[smem:$0x3FAF] =	sst s8  }
0x11: {  	[smem:$0x3FB0] =	sst s9;
	s0 =	simm.s32 @!p0 $0x0  }
0x12: {  	s1 =	sld [smem:$0x3F96];
	s0 =	simm.s32 @p0 $0x1  }
0x13: {  	[smem:$0x3FB1] =	sst s0;
	s0 =	simm.s32 @!p1 $0x0  }
0x14: {  	s2 =	sld [smem:$0x3F95];
	s0 =	simm.s32 @p1 $0x1  }
0x15: {  	[smem:$0x3FB2] =	sst s0;
	s0 =	simm.s32 @!p2 $0x0  }
0x16: {  	s3 =	sld [smem:$0x3FDB];
	s0 =	simm.s32 @p2 $0x1  }
0x17: {  	s4 =	simm.s32 $0x1BF5;
	[smem:$0x3FB4] =	sst s0  }
0x18: {  	s0 =	sld [smem:$0x3F97];
	_ =	swait.ge [sflag:s4], $0x0  }
0x19: {  	s7 =	sld [smem:$0x3F98]  }
0x1a: {  	s8 =	sadd.s32 $0xFFFFE003, lr  }
0x1b: {  	s9 =	sadd.s32 $0xFFFFFEF7, lr;
	s5 =	simm.s32 $0xFFFFFFFF;
	p2 =	slt.u32 s8, $0xFFFFF086  }
0x1c: {  	p1 =	slt.u32 s9, $0xF7A;
	s5 =	simm.s32 @!p2 $0x0  }
0x1d: {  	s5 =	simm.s32 @p1 $0x1;
	p0 =	seq.s32 s7, s2  }
0x1e: {  	s7 =	smul.u32 @!p0 $0xF7A, s2;
	p2 =	seq.s32 @!p0 s5, $0x0  }
0x1f: {  	s9 =	smul.u32 $0xF7A, s1;
	s8 =	simm.s32 @!p0 $0x1BF5;
	p2 =	por !p2, p0  }
0x20: {  	[sflag:s8] =	ssyncset.s32 @!p0 $0xFFFFF086;
	s6 =	sadd.s32 @!p0 s3, s7;
	s7 =	simm.s32 @!p0 $0x108  }
0x21: {  	s3 =	sadd.s32 s3, s9;
	s6 =	sadd.s32 @!p0 $0x88, s6;
	s7 =	simm.s32 @p2 $0x1082  }
0x22: {  	[simem:s7], [sflag:s8] =	dma.local @!p0 [hbm:s6], $0xF7A  }
0x23: {  	s9 =	sor.u32 $0xD0000000, s2;
	s6 =	simm.s32 $0x108;
	_ =	swait.ge @!p0 [sflag:s8], $0x0  }
0x24: {  	s3 =	sadd.s32 $0x88, s3;
	s6 =	simm.s32 @!p1 $0x1082;
	[sflag:s4] =	ssyncset.s32 $0xFFFFF086  }
0x25: {  	[simem:s6], [sflag:s4] =	dma.local [hbm:s3], $0xF7A  }
0x26: {  	[smem:$0x3F98] =	sst s1;
	(tag) =	ssettag s2;
	_ =	strace s9  }
0x27: {  	s1 =	sld [smem:$0x3FA8]  }
0x28: {  	s2 =	sld [smem:$0x3FA9]  }
0x29: {  	s4 =	sld [smem:$0x3FAB]  }
0x2a: {  	p0 =	seq.s32 s5, $0x0;
	s5 =	sld [smem:$0x3FAC]  }
0x2b: {  	s6 =	sld [smem:$0x3FAD]  }
0x2c: {  	s7 =	sld [smem:$0x3FAE]  }
0x2d: {  	s3 =	simm.s32 $0x108;
	s8 =	sld [smem:$0x3FAF]  }
0x2e: {  	s3 =	simm.s32 @!p0 $0x1082;
	s9 =	sld [smem:$0x3FB0]  }
0x2f: {  	lr =	sadd.s32 s0, s3;
	s0 =	sld [smem:$0x3FA7]  }
0x30: {  	s3 =	sld [smem:$0x3FAA]  }
0x31: {  	[smem:$0x3FB3] =	sst s10  }
0x32: {  	s10 =	sld [smem:$0x3FB1];
	_ =	sdelay $0x3  }
0x33: {  	p0 =	seq.s32 s10, $0x1;
	s10 =	sld [smem:$0x3FB3];
	_ =	sdelay $0x3  }
0x34: {  	[smem:$0x3FB3] =	sst s10  }
0x35: {  	s10 =	sld [smem:$0x3FB2];
	_ =	sdelay $0x3  }
0x36: {  	p1 =	seq.s32 s10, $0x1;
	s10 =	sld [smem:$0x3FB3];
	_ =	sdelay $0x3  }
0x37: {  	[smem:$0x3FB3] =	sst s10  }
0x38: {  	s10 =	sld [smem:$0x3FB4]  }
0x39: {  	_ = 	snop;
	(pc) =	sbr.ind lr, $3  }
0x3a: {  	_ = 	snop  }
0x3b: {  	_ = 	snop  }
0x3c: {  	p2 =	seq.s32 s10, $0x1;
	s10 =	sld [smem:$0x3FB3]  }
0x3d: {  	_ =	shalt  }
0x3e: {  	_ =	shalt  }
0x3f: {  	_ =	shalt  }
0x40: {  	_ =	shalt  }
0x41: {  	_ =	shalt  }
0x42: {  	_ =	shalt  }
0x43: {  	_ =	shalt  }
0x44: {  	_ =	shalt  }
0x45: {  	_ =	shalt  }
0x46: {  	_ =	shalt  }
0x47: {  	_ =	shalt  }
0x48: {  	_ =	shalt  }
0x49: {  	_ =	shalt  }
0x4a: {  	_ =	shalt  }
0x4b: {  	_ =	shalt  }
0x4c: {  	_ =	shalt  }
0x4d: {  	_ =	shalt  }
0x4e: {  	_ =	shalt  }
0x4f: {  	_ =	shalt  }
0x50: {  	_ =	shalt  }
0x51: {  	_ =	shalt  }
0x52: {  	_ =	shalt  }
0x53: {  	_ =	shalt  }
0x54: {  	_ =	shalt  }
0x55: {  	_ =	shalt  }
0x56: {  	_ =	shalt  }
0x57: {  	_ =	shalt  }
0x58: {  	_ =	shalt  }
0x59: {  	_ =	shalt  }
0x5a: {  	_ =	shalt  }
0x5b: {  	_ =	shalt  }
0x5c: {  	_ =	shalt  }
0x5d: {  	_ =	shalt  }
0x5e: {  	_ =	shalt  }
0x5f: {  	_ =	shalt  }
0x60: {  	_ =	shalt  }
0x61: {  	_ =	shalt  }
0x62: {  	_ =	shalt  }
0x63: {  	_ =	shalt  }
0x64: {  	_ =	shalt  }
0x65: {  	_ =	shalt  }
0x66: {  	_ =	shalt  }
0x67: {  	_ =	shalt  }
0x68: {  	_ =	shalt  }
0x69: {  	_ =	shalt  }
0x6a: {  	_ =	shalt  }
0x6b: {  	_ =	shalt  }
0x6c: {  	_ =	shalt  }
0x6d: {  	_ =	shalt  }
0x6e: {  	_ =	shalt  }
0x6f: {  	_ =	shalt  }
0x70: {  	_ =	shalt  }
0x71: {  	_ =	shalt  }
0x72: {  	_ =	shalt  }
0x73: {  	_ =	shalt  }
0x74: {  	_ =	shalt  }
0x75: {  	_ =	shalt  }
0x76: {  	_ =	shalt  }
0x77: {  	_ =	shalt  }
0x78: {  	_ =	shalt  }
0x79: {  	_ =	shalt  }
0x7a: {  	_ =	shalt  }
0x7b: {  	_ =	shalt  }
0x7c: {  	_ =	shalt  }
0x7d: {  	_ =	shalt  }
0x7e: {  	_ =	shalt  }
0x7f: {  	_ =	shalt  }
0x80: {  	_ =	shalt  }
0x81: {  	_ =	shalt  }
0x82: {  	_ =	shalt  }
0x83: {  	_ =	shalt  }
0x84: {  	_ =	shalt  }
0x85: {  	_ =	shalt  }
0x86: {  	_ =	shalt  }
0x87: {  	_ =	shalt  }
.Lfunc_end0:
.L_simem_size_0:
called_computation_lowered:
.L_overlay_start_0:
0x88: {  	s2 =	sld [smem:$0x3FD9]  }
0x89: {  	s3 =	sld [smem:$0x3FFE];
	_ =	sdelay $0x1  }
0x8a: {  	s1 =	srdreg.scid  }
0x8b: {  	s0 =	sand.u32 $0x1, s1  }
0x8c: {  	s17 =	sshll.u32 s0, $0xA;
	s2 =	sadd.s32 s3, s2  }
0x8d: {  	s2 =	sadd.s32 s2, s17  }
0x8e: {  	[smem:$0x3FBF] =	sst s2  }
0x8f: {  	_ = 	snop  }
0x90: {  	s2 =	sld [smem:$0x3FC8]  }
0x91: {  	s18 =	sld [smem:$0x3FC7];
	(tm) =	ssettm $0x1  }
0x92: {  	s4 =	sld [smem:$0x3FFB];
	_ =	sdelay $0x3  }
0x93: {  	_ =	strace s4  }
0x94: {  	s4 =	sld [smem:$0x3FFC];
	_ =	sdelay $0x3  }
0x95: {  	_ =	strace s4  }
0x96: {  	s4 =	sld [smem:$0x3FFD];
	_ =	sdelay $0x3  }
0x97: {  	_ =	strace s4  }
0x98: {  	_ =	strace $0x8FFFFFFF  }
0x99: {  	s19 =	sld [smem:$0x3FDB];
	_ =	sdelay $0x1  }
0x9a: {  	s5 =	simm.s32 $_scs_section_size  }
0x9b: {  	s6 =	simm.s32 $_size__tile_overlayer_lowered;
	s7 =	simm.s32 $_tile_overlayer_lowered  }
0x9c: {  	s22 =	simm.s32 $0x1BFF;
	s21 =	sshll.u32 s7, $0x1;
	s4 =	sadd.s32 s5, s19  }
0x9d: {  	s8 =	simm.s32 $0x0;
	s20 =	sshll.u32 s6, $0x1;
	s6 =	sadd.s32 s21, s4  }
0x9e: {  	[timem:s8], [sflag:s22] =	dma.local [hbm:s6], s20  }
0x9f: {  	_ =	swait.ge [sflag:s22], s20  }
0xa0: {  	s5 =	ssub.s32 $0x0, s20;
	[sflag:s22] =	ssyncset.done $0x0  }
0xa1: {  	[sflag:s22] =	ssyncadd.s32 s5;
	_ =	sdelay $0x1  }
0xa2: {  	s23 =	simm.s32 $0x1B8B  }
0xa3: {  	_ =	swait.ge [sflag:s23], $0x1  }
0xa4: {  	[sflag:s23] =	ssyncset.done $0x0  }
0xa5: {  	s25 =	simm.s32 $0x1B8E;
	s24 =	sld [smem:$0x3FFE];
	[sflag:s23] =	ssyncadd.s32 $0xFFFFFFFF  }
0xa6: {  	s26 =	simm.s32 $execute0_lowered;
	[smem:$0x3FD2] =	sst s25  }
0xa7: {  	s6 =	sshll.u32 s26, $0x1;
	_ =	strace $0x80000046;
	[dreg:$0x1] =	wrdreg $0xFFFFFFFF  }
0xa8: {  	s28 =	simm.s32 $_size_execute0_lowered;
	s4 =	sadd.s32 s4, s6;
	[dreg:$0x0] =	wrdreg $0x0  }
0xa9: {  	s6 =	sshll.u32 s28, $0x1;
	[dreg:$0x2] =	wrdreg s4  }
0xaa: {  	[dreg:$0x3] =	wrdreg s6  }
0xab: {  	[dreg:$0x4] =	wrdreg $0xC0  }
0xac: {  	_ =	task [dreg:s8], $0x5FFFF  }
0xad: {  	[dreg:$0x1] =	wrdreg $0xFFFFFFFF  }
0xae: {  	[dreg:$0x0] =	wrdreg $0x60  }
0xaf: {  	[dreg:$0x2] =	wrdreg s2  }
0xb0: {  	[dreg:$0x3] =	wrdreg s18  }
0xb1: {  	[dreg:$0x4] =	wrdreg s24  }
0xb2: {  	[dreg:$0x5] =	wrdreg $0xC1800  }
0xb3: {  	[dreg:$0x6] =	wrdreg $0x9  }
0xb4: {  	_ =	task.clear_ibuf [dreg:s8], $0x7FFFF;
	_ =	strace $0x90000046  }
0xb5: {  	s29 =	simm.s32 $0x9;
	_ =	strace $0x80000048  }
0xb6: {  	_ =	swait.ge [sflag:s29], $0x1  }
0xb7: {  	[sflag:s29] =	ssyncadd.s32 $0xFFFFFFFF  }
0xb8: {  	_ =	strace $0x90000048  }
0xb9: {  	_ =	sfence  }
0xba: {  	s30 =	sld [smem:$0x0];
	_ =	sdelay $0x2  }
0xbb: {  	s31 =	sshll.u32 s1, $0xD;
	s1 =	sshrl.u32 s1, $0x2  }
0xbc: {  	s3 =	sand.u32 $0x4000, s31;
	s1 =	sadd.s32 s1, s30  }
0xbd: {  	s0 =	sor.u32 s3, s0;
	s1 =	sshll.u32 s1, $0x11  }
0xbe: {  	s0 =	sor.u32 s1, s0  }
0xbf: {  	s0 =	sadd.s32 $0x8F2B, s0  }
0xc0: {  	[sflag:s0] =	ssyncadd.remote.s32 $0x1  }
0xc1: {  	_ =	sfence.sel $0xFFFF  }
0xc2: {  	[dreg:$0x0] =	wrdreg $0xFFFFFFFF;
	(pc) =	sbr.abs _section_cstart, $3  }
0xc3: {  	[dreg:$0x1] =	wrdreg $0xFFFFFFFF  }
0xc4: {  	_ =	task.clear_ibuf [dreg:s8], $0x2FFFF;
	_ =	strace $0x9FFFFFFF  }
0xc5: {  	(tm) =	ssettm $0x7FFFFFFF  }
tec
execute0_lowered:
.L_overlay_start_1:
0x0: {  	(tag) =	ssettag $0x1  }
0x1: {  	s0 =	rddreg [dreg:$0x0]  }
0x2: {  	s1 =	rddreg [dreg:$0x1]  }
0x3: {  	s4 =	rddreg [dreg:$0x2];
	s16 =	stileid.u32  }
0x4: {  	s3 =	srdreg.scid;
	s7 =	smul.u32 $0x13C00, s16  }
0x5: {  	s2 =	rddreg [dreg:$0x3];
	s12 =	smul.u32 $0x4F000, s16  }
0x6: {  	s30 =	simm.s32 $0x180;
	s5 =	sand.u32 $0x1, s3;
	s13 =	smul.u32 $0x4E, s16  }
0x7: {  	s31 =	simm.s32 $0x80;
	s3 =	simm.s32 $0x0;
	s6 =	smul.u32 $0x13C000, s5  }
0x8: {  	[smem:$0x7FF] =	sst s3;
	s8 =	sshll.u32 s5, $0x4;
	s15 =	ssub.s32 $0x2, s5  }
0x9: {  	s5 =	smul.u32 $0x4E0, s5;
	s6 =	sadd.s32 s7, s6;
	s7 =	sor.u32 s16, s8  }
0xa: {  	_ =	strace $0x80000047;
	s17 =	sshrl.u32 s15, $0x1;
	s9 =	smul.u32 $0x2700, s7  }
0xb: {  	s22 =	sshrl.u32 s12, $0x2;
	s12 =	simm.s32 $0x6;
	s10 =	smul.u32 $0x9C0, s7  }
0xc: {  	s5 =	sadd.s32 s13, s5;
	s6 =	sshrl.u32 s6, $0x3;
	s18 =	smul.u32 $0x27000, s7  }
0xd: {  	p0 =	sgt.u32 s7, $0x3;
	s7 =	simm.s32 $0x2;
	s4 =	sadd.s32 s6, s4  }
0xe: {  	s6 =	ssub.s32 s15, s17;
	s11 =	sor.u32 $0x80, s9;
	s10 =	sadd.s32 s0, s10  }
0xf: {  	s8 =	sadd.s32 s1, s18;
	s25 =	sadd.s32 $0x180, s9;
	s26 =	sadd.s32 $0x200, s9  }
0x10: {  	s18 =	sshll.u32 s16, $0x7;
	[dreg:$0x5] =	wrdreg s10;
	s19 =	sshrl.u32 s11, $0x2  }
0x11: {  	[dreg:$0x6] =	wrdreg s8;
	s10 =	sadd.s32 $0x100, s9;
	s21 =	sshll.u32 s11, $0x4  }
0x12: {  	s14 =	sshll.u32 s25, $0x4;
	s15 =	sshll.u32 s26, $0x4;
	s9 =	sadd.s32 $0x2680, s9  }
0x13: {  	s11 =	sshrl.u32 s25, $0x2;
	s25 =	sshrl.u32 s26, $0x2;
	s20 =	sadd.s32 s0, s19  }
0x14: {  	s23 =	sshll.u32 s10, $0x4;
	s8 =	sadd.s32 s1, s21;
	s14 =	sadd.s32 s1, s14  }
0x15: {  	s17 =	sadd.s32 s1, s15;
	s19 =	sshll.u32 s9, $0x4;
	[dreg:$0x7] =	wrdreg s20  }
0x16: {  	s21 =	sshll.u32 s5, $0xB;
	s10 =	sshrl.u32 s10, $0x2;
	[dreg:$0x8] =	wrdreg s8  }
0x17: {  	s9 =	sshrl.u32 s9, $0x2;
	s5 =	sshll.u32 s5, $0x5;
	[dreg:$0xa] =	wrdreg s14  }
0x18: {  	s8 =	sadd.s32 s22, s2;
	s24 =	sadd.s32 s1, s23;
	[dreg:$0xb] =	wrdreg s17  }
0x19: {  	s14 =	sor.u32 $0x4E000, s18;
	s13 =	sadd.s32 s1, s19;
	[dreg:$0x9] =	wrdreg s24  }
0x1a: {  	s10 =	sadd.s32 s0, s10;
	s9 =	sadd.s32 s0, s9;
	[dreg:$0xc] =	wrdreg s13  }
0x1b: {  	s20 =	sshll.u32 s14, $0x4;
	s23 =	sadd.s32 $0x4000, s8;
	[dreg:$0xf] =	wrdreg s10  }
0x1c: {  	s24 =	sadd.s32 s0, s11;
	s10 =	sadd.s32 s0, s25;
	s26 =	sshrl.u32 s14, $0x2  }
0x1d: {  	[dreg:$0x12] =	wrdreg s9;
	s28 =	sadd.s32 $0xC000, s8;
	s29 =	sadd.s32 $0x10000, s8  }
0x1e: {  	s9 =	simm.s32 $0x4;
	s11 =	simm.s32 $0x5;
	[dreg:$0xe] =	wrdreg s23  }
0x1f: {  	s13 =	simm.s32 $0x0;
	s22 =	sadd.s32 s1, s20;
	[dreg:$0x10] =	wrdreg s24  }
0x20: {  	s1 =	sadd.s32 s1, s21;
	[dreg:$0x11] =	wrdreg s10;
	s19 =	sadd.s32 s0, s26  }
0x21: {  	s20 =	sadd.s32 $0x1400, s4;
	s21 =	smax.u32 s6, $0x1;
	s0 =	sadd.s32 s0, s5  }
0x22: {  	s26 =	sadd.s32 $0x8000, s8;
	s4 =	simm.s32 $0x7;
	s5 =	simm.s32 $0x1  }
0x23: {  	s6 =	simm.s32 $0x100;
	s10 =	simm.s32 $0x3;
	[dreg:$0xd] =	wrdreg s22  }
0x24: {  	s22 =	sadd.s32 $0x3000, s1;
	s23 =	sadd.s32 $0xE0, s0;
	s24 =	sadd.s32 $0x2800, s1  }
0x25: {  	v0 =	vimm.f32 $0.0e+00;
	s25 =	sadd.s32 $0xA0, s0;
	s0 =	simm.s32 $0x4180;
	s1 =	simm.s32 $0x8180  }
.LBB2_1:
0x26: {  	s14 =	rddreg [dreg:$0x5]  }
0x27: {  	[tilespmem:s3], [sflag:$0x1] =	stream.linear.gather [hbm4b:s14+s3], $0x80, $0x38;
	[tilespmem:$0x1FD80] =	vst v63  }
0x28: {  	s16 =	rddreg [dreg:$0x6]  }
0x29: {  	[tilespmem:s30], [sflag:$0x1] =	stream.linear.gather [hbm4b:s16+s3], $0x4000, $0x38;
	[tilespmem:$0x1FD80] =	vst v63  }
0x2a: {  	s17 =	rddreg [dreg:$0x7]  }
0x2b: {  	[tilespmem:s31], [sflag:$0x2] =	stream.linear.gather [hbm4b:s17+s3], $0x80, $0x38;
	[tilespmem:$0x1FD80] =	vst v63  }
0x2c: {  	s18 =	rddreg [dreg:$0x8];
	s15 =	simm.s32 $0x200;
	s14 =	simm.s32 $0x0  }
0x2d: {  	[tilespmem:s0], [sflag:$0x2] =	stream.linear.gather [hbm4b:s18+s3], $0x4000, $0x38;
	[tilespmem:$0x1FD80] =	vst v63  }
.LBB2_2:
0x2e: {  	p1 =	sne.s32 s15, $0xFE00;
	[tilespmem:s14+$0x81F0] =	vst v0  }
0x2f: {  	[tilespmem:s14+$0x8180] =	vst v0  }
0x30: {  	[tilespmem:s14+$0x8190] =	vst v0  }
.Ltmp0:
0x31: {  	[tilespmem:s14+$0x81A0] =	vst v0;
	(pc) =	sbr.rel @p1 .LBB2_2-.Ltmp0, $4  }
0x32: {  	[tilespmem:s14+$0x81B0] =	vst v0  }
0x33: {  	[tilespmem:s14+$0x81C0] =	vst v0  }
0x34: {  	[tilespmem:s14+$0x81D0] =	vst v0  }
0x35: {  	[tilespmem:s14+$0x81E0] =	vst v0;
	s14 =	sshra.s32 s15, $0x2;
	s15 =	sadd.s32 $0x200, s15  }
0x36: {  	[tilespmem:s14+$0x81F0] =	vst v0  }
0x37: {  	[tilespmem:s14+$0x8180] =	vst v0  }
0x38: {  	[tilespmem:s14+$0x8190] =	vst v0  }
0x39: {  	[tilespmem:s14+$0x81A0] =	vst v0  }
0x3a: {  	[tilespmem:s14+$0x81B0] =	vst v0  }
0x3b: {  	[tilespmem:s14+$0x81C0] =	vst v0  }
0x3c: {  	[tilespmem:s14+$0x81D0] =	vst v0  }
0x3d: {  	[tilespmem:s14+$0x81E0] =	vst v0  }
0x3e: {  	[spmem:s8] =	stream.linear.scatter [tilespmem:s1], [sflag:$0x7], $0x4000, $0x38;
	[tilespmem:$0x1FD80] =	vst v63  }
0x3f: {  	_ =	swait.ge [sflag:s4], $0x4000  }
0x40: {  	[sflag:s4] =	ssyncset.done $0x0  }
0x41: {  	s16 =	rddreg [dreg:$0xe];
	[sflag:s4] =	ssyncadd.s32 $0xFFFFC000  }
0x42: {  	[spmem:s16] =	stream.linear.scatter [tilespmem:s1], [sflag:$0x7], $0x4000, $0x38;
	[tilespmem:$0x1FD80] =	vst v63  }
0x43: {  	_ =	swait.ge [sflag:s4], $0x4000  }
0x44: {  	[sflag:s4] =	ssyncset.done $0x0  }
0x45: {  	[sflag:s4] =	ssyncadd.s32 $0xFFFFC000  }
0x46: {  	[spmem:s26] =	stream.linear.scatter [tilespmem:s1], [sflag:$0x7], $0x4000, $0x38;
	[tilespmem:$0x1FD80] =	vst v63  }
0x47: {  	_ =	swait.ge [sflag:s4], $0x4000  }
0x48: {  	[sflag:s4] =	ssyncset.done $0x0  }
0x49: {  	[sflag:s4] =	ssyncadd.s32 $0xFFFFC000  }
0x4a: {  	[spmem:s28] =	stream.linear.scatter [tilespmem:s1], [sflag:$0x7], $0x4000, $0x38;
	[tilespmem:$0x1FD80] =	vst v63  }
0x4b: {  	_ =	swait.ge [sflag:s4], $0x4000  }
0x4c: {  	[sflag:s4] =	ssyncset.done $0x0  }
0x4d: {  	[sflag:s4] =	ssyncadd.s32 $0xFFFFC000  }
0x4e: {  	[spmem:s29] =	stream.linear.scatter [tilespmem:s1], [sflag:$0x7], $0x3C00, $0x38;
	[tilespmem:$0x1FD80] =	vst v63  }
0x4f: {  	_ =	swait.ge [sflag:s4], $0x3C00  }
0x50: {  	[sflag:s4] =	ssyncset.done $0x0  }
0x51: {  	[sflag:s4] =	ssyncadd.s32 $0xFFFFC400  }
0x52: {  	[bflag:$0x0] =	sbarrier.arrive $0xFFFF  }
0x53: {  	_ =	swait.ge [sflag:s5], $0x80  }
0x54: {  	[sflag:s5] =	ssyncset.done $0x0  }
0x55: {  	[sflag:s5] =	ssyncadd.s32 $0xFFFFFF80  }
0x56: {  	_ =	swait.ge [sflag:s5], $0x4000  }
0x57: {  	[sflag:s5] =	ssyncset.done $0x0  }
0x58: {  	s14 =	simm.s32 $0x0;
	[sflag:s5] =	ssyncadd.s32 $0xFFFFC000  }
0x59: {  	[spmem:s2] =	stream.indirect.scatter.add.f32 [tilespmem:s30], [sflag:$0x4], $0x80, s14, s31, $0xb8;
	[tilespmem:$0x1FD80] =	vst v63  }
0x5a: {  	s15 =	rddreg [dreg:$0xf]  }
0x5b: {  	[tilespmem:s6], [sflag:$0x3] =	stream.linear.gather [hbm4b:s15+s14], $0x80, $0x38;
	[tilespmem:$0x1FD80] =	vst v63  }
0x5c: {  	s17 =	rddreg [dreg:$0x9]  }
0x5d: {  	[tilespmem:s1], [sflag:$0x3] =	stream.linear.gather [hbm4b:s17+s14], $0x4000, $0x38;
	[tilespmem:$0x1FD80] =	vst v63  }
0x5e: {  	_ =	swait.ge [sflag:s7], $0x80  }
0x5f: {  	[sflag:s7] =	ssyncset.done $0x0  }
0x60: {  	[sflag:s7] =	ssyncadd.s32 $0xFFFFFF80  }
0x61: {  	_ =	swait.ge [sflag:s7], $0x4000  }
0x62: {  	[sflag:s7] =	ssyncset.done $0x0  }
0x63: {  	[sflag:s7] =	ssyncadd.s32 $0xFFFFC000  }
0x64: {  	[spmem:s2] =	stream.indirect.scatter.add.f32 [tilespmem:s0], [sflag:$0x5], $0x80, s31, s31, $0xb8;
	[tilespmem:$0x1FD80] =	vst v63  }
0x65: {  	_ =	swait.ge [sflag:s9], $0x4000  }
0x66: {  	[sflag:s9] =	ssyncset.done $0x0  }
0x67: {  	s18 =	rddreg [dreg:$0x10];
	[sflag:s9] =	ssyncadd.s32 $0xFFFFC000  }
0x68: {  	[tilespmem:s14], [sflag:$0x1] =	stream.linear.gather [hbm4b:s18+s14], $0x80, $0x38;
	[tilespmem:$0x1FD80] =	vst v63  }
0x69: {  	s16 =	rddreg [dreg:$0xa]  }
0x6a: {  	[tilespmem:s30], [sflag:$0x1] =	stream.linear.gather [hbm4b:s16+s14], $0x4000, $0x38;
	[tilespmem:$0x1FD80] =	vst v63  }
0x6b: {  	_ =	swait.ge [sflag:s10], $0x80  }
0x6c: {  	[sflag:s10] =	ssyncset.done $0x0  }
0x6d: {  	[sflag:s10] =	ssyncadd.s32 $0xFFFFFF80  }
0x6e: {  	_ =	swait.ge [sflag:s10], $0x4000  }
0x6f: {  	[sflag:s10] =	ssyncset.done $0x0  }
0x70: {  	[sflag:s10] =	ssyncadd.s32 $0xFFFFC000  }
0x71: {  	[spmem:s2] =	stream.indirect.scatter.add.f32 [tilespmem:s1], [sflag:$0x6], $0x80, s6, s31, $0xb8;
	[tilespmem:$0x1FD80] =	vst v63  }
0x72: {  	_ =	swait.ge [sflag:s11], $0x4000  }
0x73: {  	[sflag:s11] =	ssyncset.done $0x0  }
0x74: {  	s17 =	rddreg [dreg:$0x11];
	[sflag:s11] =	ssyncadd.s32 $0xFFFFC000  }
0x75: {  	[tilespmem:s31], [sflag:$0x2] =	stream.linear.gather [hbm4b:s17+s14], $0x80, $0x38;
	[tilespmem:$0x1FD80] =	vst v63  }
0x76: {  	s18 =	rddreg [dreg:$0xb]  }
0x77: {  	[tilespmem:s0], [sflag:$0x2] =	stream.linear.gather [hbm4b:s18+s14], $0x4000, $0x38;
	[tilespmem:$0x1FD80] =	vst v63  }
0x78: {  	_ =	swait.ge [sflag:s5], $0x80  }
0x79: {  	[sflag:s5] =	ssyncset.done $0x0  }
0x7a: {  	[sflag:s5] =	ssyncadd.s32 $0xFFFFFF80  }
0x7b: {  	_ =	swait.ge [sflag:s5], $0x4000  }
0x7c: {  	[sflag:s5] =	ssyncset.done $0x0  }
0x7d: {  	[sflag:s5] =	ssyncadd.s32 $0xFFFFC000  }
0x7e: {  	[spmem:s2] =	stream.indirect.scatter.add.f32 [tilespmem:s30], [sflag:$0x4], $0x80, s3, s31, $0xb8;
	[tilespmem:$0x1FD80] =	vst v63  }
0x7f: {  	_ =	swait.ge [sflag:s12], $0x4000  }
0x80: {  	[sflag:s12] =	ssyncset.done $0x0  }
0x81: {  	[sflag:s12] =	ssyncadd.s32 $0xFFFFC000  }
0x82: {  	[tilespmem:s6], [sflag:$0x3] =	stream.linear.gather [hbm4b:s25+s3], $0x80, $0x38;
	[tilespmem:$0x1FD80] =	vst v63  }
0x83: {  	s16 =	sadd.s32 $0x0, s24  }
0x84: {  	[tilespmem:s1], [sflag:$0x3] =	stream.linear.gather [hbm4b:s16+s3], $0x4000, $0x38;
	[tilespmem:$0x1FD80] =	vst v63  }
0x85: {  	_ =	swait.ge [sflag:s7], $0x80  }
0x86: {  	[sflag:s7] =	ssyncset.done $0x0  }
0x87: {  	[sflag:s7] =	ssyncadd.s32 $0xFFFFFF80  }
0x88: {  	_ =	swait.ge [sflag:s7], $0x4000  }
0x89: {  	[sflag:s7] =	ssyncset.done $0x0  }
0x8a: {  	[sflag:s7] =	ssyncadd.s32 $0xFFFFC000  }
0x8b: {  	[spmem:s2] =	stream.indirect.scatter.add.f32 [tilespmem:s0], [sflag:$0x5], $0x80, s31, s31, $0xb8;
	[tilespmem:$0x1FD80] =	vst v63  }
0x8c: {  	_ =	swait.ge [sflag:s9], $0x4000  }
0x8d: {  	[sflag:s9] =	ssyncset.done $0x0  }
0x8e: {  	s17 =	sadd.s32 $0xFFFFFFE0, s23;
	[sflag:s9] =	ssyncadd.s32 $0xFFFFC000  }
0x8f: {  	[tilespmem:s3], [sflag:$0x1] =	stream.linear.gather [hbm4b:s17+s3], $0x80, $0x38;
	[tilespmem:$0x1FD80] =	vst v63  }
0x90: {  	s18 =	sadd.s32 $0x0, s22  }
0x91: {  	[tilespmem:s30], [sflag:$0x1] =	stream.linear.gather [hbm4b:s18+s3], $0x4000, $0x38;
	[tilespmem:$0x1FD80] =	vst v63  }
0x92: {  	_ =	swait.ge [sflag:s10], $0x80  }
0x93: {  	[sflag:s10] =	ssyncset.done $0x0  }
0x94: {  	[sflag:s10] =	ssyncadd.s32 $0xFFFFFF80  }
0x95: {  	_ =	swait.ge [sflag:s10], $0x4000  }
0x96: {  	[sflag:s10] =	ssyncset.done $0x0  }
0x97: {  	[sflag:s10] =	ssyncadd.s32 $0xFFFFC000  }
0x98: {  	[spmem:s2] =	stream.indirect.scatter.add.f32 [tilespmem:s1], [sflag:$0x6], $0x80, s6, s31, $0xb8;
	[tilespmem:$0x1FD80] =	vst v63  }
0x99: {  	_ =	swait.ge [sflag:s11], $0x4000  }
0x9a: {  	s15 =	sadd.s32 $0x60, s23;
	s14 =	simm.s32 $0x1800;
	[sflag:s11] =	ssyncset.done $0x0  }
0x9b: {  	s16 =	sadd.s32 $0x60, s25;
	s17 =	sadd.s32 $0x800, s18;
	[sflag:s11] =	ssyncadd.s32 $0xFFFFC000  }
0x9c: {  	[tilespmem:s31], [sflag:$0x2] =	stream.linear.gather [hbm4b:s23+s3], $0x80, $0x38;
	[tilespmem:$0x1FD80] =	vst v63  }
.LBB2_4:
0x9d: {  	[tilespmem:s0], [sflag:$0x2] =	stream.linear.gather [hbm4b:s17+s3], $0x4000, $0x38;
	[tilespmem:$0x1FD80] =	vst v63  }
0x9e: {  	s17 =	smov.u32 s14  }
0x9f: {  	p1 =	sne.s32 s14, $0x22800;
	s14 =	sadd.s32 $0x1800, s14;
	_ =	swait.ge [sflag:s5], $0x80  }
0xa0: {  	[sflag:s5] =	ssyncset.done $0x0  }
0xa1: {  	[sflag:s5] =	ssyncadd.s32 $0xFFFFFF80  }
0xa2: {  	_ =	swait.ge [sflag:s5], $0x4000  }
0xa3: {  	[sflag:s5] =	ssyncset.done $0x0  }
0xa4: {  	[sflag:s5] =	ssyncadd.s32 $0xFFFFC000  }
0xa5: {  	[spmem:s2] =	stream.indirect.scatter.add.f32 [tilespmem:s30], [sflag:$0x4], $0x80, s3, s31, $0xb8;
	[tilespmem:$0x1FD80] =	vst v63  }
0xa6: {  	_ =	swait.ge [sflag:s12], $0x4000  }
0xa7: {  	[sflag:s12] =	ssyncset.done $0x0  }
0xa8: {  	[sflag:s12] =	ssyncadd.s32 $0xFFFFC000  }
0xa9: {  	[tilespmem:s6], [sflag:$0x3] =	stream.linear.gather [hbm4b:s16+s3], $0x80, $0x38;
	[tilespmem:$0x1FD80] =	vst v63  }
0xaa: {  	s18 =	sadd.s32 s17, s24  }
0xab: {  	[tilespmem:s1], [sflag:$0x3] =	stream.linear.gather [hbm4b:s18+s3], $0x4000, $0x38;
	[tilespmem:$0x1FD80] =	vst v63  }
0xac: {  	_ =	swait.ge [sflag:s7], $0x80  }
0xad: {  	[sflag:s7] =	ssyncset.done $0x0  }
0xae: {  	[sflag:s7] =	ssyncadd.s32 $0xFFFFFF80  }
0xaf: {  	_ =	swait.ge [sflag:s7], $0x4000  }
0xb0: {  	[sflag:s7] =	ssyncset.done $0x0  }
0xb1: {  	[sflag:s7] =	ssyncadd.s32 $0xFFFFC000  }
0xb2: {  	[spmem:s2] =	stream.indirect.scatter.add.f32 [tilespmem:s0], [sflag:$0x5], $0x80, s31, s31, $0xb8;
	[tilespmem:$0x1FD80] =	vst v63  }
0xb3: {  	_ =	swait.ge [sflag:s9], $0x4000  }
0xb4: {  	[sflag:s9] =	ssyncset.done $0x0  }
0xb5: {  	s18 =	sadd.s32 $0xFFFFFFE0, s15;
	[sflag:s9] =	ssyncadd.s32 $0xFFFFC000  }
0xb6: {  	[tilespmem:s3], [sflag:$0x1] =	stream.linear.gather [hbm4b:s18+s3], $0x80, $0x38;
	[tilespmem:$0x1FD80] =	vst v63  }
0xb7: {  	s17 =	sadd.s32 s17, s22  }
0xb8: {  	[tilespmem:s30], [sflag:$0x1] =	stream.linear.gather [hbm4b:s17+s3], $0x4000, $0x38;
	[tilespmem:$0x1FD80] =	vst v63  }
0xb9: {  	_ =	swait.ge [sflag:s10], $0x80  }
0xba: {  	[sflag:s10] =	ssyncset.done $0x0  }
0xbb: {  	[sflag:s10] =	ssyncadd.s32 $0xFFFFFF80  }
0xbc: {  	_ =	swait.ge [sflag:s10], $0x4000  }
0xbd: {  	[sflag:s10] =	ssyncset.done $0x0  }
0xbe: {  	[sflag:s10] =	ssyncadd.s32 $0xFFFFC000  }
0xbf: {  	[spmem:s2] =	stream.indirect.scatter.add.f32 [tilespmem:s1], [sflag:$0x6], $0x80, s6, s31, $0xb8;
	[tilespmem:$0x1FD80] =	vst v63  }
.Ltmp1:
0xc0: {  	_ =	swait.ge [sflag:s11], $0x4000;
	(pc) =	sbr.rel @p1 .LBB2_4-.Ltmp1, $4  }
0xc1: {  	[sflag:s11] =	ssyncset.done $0x0  }
0xc2: {  	[sflag:s11] =	ssyncadd.s32 $0xFFFFC000  }
0xc3: {  	[tilespmem:s31], [sflag:$0x2] =	stream.linear.gather [hbm4b:s15+s3], $0x80, $0x38;
	[tilespmem:$0x1FD80] =	vst v63  }
0xc4: {  	s16 =	sadd.s32 $0x60, s16;
	s17 =	sadd.s32 $0x800, s17;
	s15 =	sadd.s32 $0x60, s15  }
0xc5: {  	[tilespmem:s0], [sflag:$0x2] =	stream.linear.gather [hbm4b:s17+s3], $0x4000, $0x38;
	[tilespmem:$0x1FD80] =	vst v63  }
0xc6: {  	_ =	swait.ge [sflag:s5], $0x80  }
0xc7: {  	[sflag:s5] =	ssyncset.done $0x0  }
0xc8: {  	[sflag:s5] =	ssyncadd.s32 $0xFFFFFF80  }
0xc9: {  	_ =	swait.ge [sflag:s5], $0x4000  }
0xca: {  	[sflag:s5] =	ssyncset.done $0x0  }
0xcb: {  	[sflag:s5] =	ssyncadd.s32 $0xFFFFC000  }
0xcc: {  	[spmem:s2] =	stream.indirect.scatter.add.f32 [tilespmem:s30], [sflag:$0x4], $0x80, s3, s31, $0xb8;
	[tilespmem:$0x1FD80] =	vst v63  }
0xcd: {  	_ =	swait.ge [sflag:s12], $0x4000  }
0xce: {  	[sflag:s12] =	ssyncset.done $0x0  }
0xcf: {  	s14 =	rddreg [dreg:$0x12];
	[sflag:s12] =	ssyncadd.s32 $0xFFFFC000  }
0xd0: {  	[tilespmem:s6], [sflag:$0x3] =	stream.linear.gather [hbm4b:s14+s3], $0x80, $0x38;
	[tilespmem:$0x1FD80] =	vst v63  }
0xd1: {  	s16 =	rddreg [dreg:$0xc]  }
0xd2: {  	[tilespmem:s1], [sflag:$0x3] =	stream.linear.gather [hbm4b:s16+s3], $0x4000, $0x38;
	[tilespmem:$0x1FD80] =	vst v63  }
0xd3: {  	_ =	swait.ge [sflag:s7], $0x80  }
0xd4: {  	[sflag:s7] =	ssyncset.done $0x0  }
0xd5: {  	[sflag:s7] =	ssyncadd.s32 $0xFFFFFF80  }
0xd6: {  	_ =	swait.ge [sflag:s7], $0x4000  }
0xd7: {  	[sflag:s7] =	ssyncset.done $0x0  }
0xd8: {  	[sflag:s7] =	ssyncadd.s32 $0xFFFFC000  }
0xd9: {  	[spmem:s2] =	stream.indirect.scatter.add.f32 [tilespmem:s0], [sflag:$0x5], $0x80, s31, s31, $0xb8;
	[tilespmem:$0x1FD80] =	vst v63  }
0xda: {  	_ =	swait.ge [sflag:s9], $0x4000  }
0xdb: {  	[sflag:s9] =	ssyncset.done $0x0  }
0xdc: {  	s14 =	simm.s32 @p0 $0x3;
	[sflag:s9] =	ssyncadd.s32 $0xFFFFC000  }
0xdd: {  	_ =	swait.ge @p0 [sflag:s14], $0x80  }
0xde: {  	[sflag:s14] =	ssyncset.done @p0 $0x0  }
0xdf: {  	[sflag:s14] =	ssyncadd.s32 @p0 $0xFFFFFF80  }
0xe0: {  	_ =	swait.ge @p0 [sflag:s14], $0x4000  }
0xe1: {  	s15 =	simm.s32 @p0 $0x100;
	[sflag:s14] =	ssyncset.done @p0 $0x0  }
0xe2: {  	s16 =	simm.s32 @p0 $0x8180;
	[sflag:s14] =	ssyncadd.s32 @p0 $0xFFFFC000;
	s14 =	simm.s32 @p0 $0x80  }
0xe3: {  	[spmem:s2] =	stream.indirect.scatter.add.f32 @p0 [tilespmem:s16], [sflag:$0x6], $0x80, s15, s14, $0xb8;
	[tilespmem:$0x1FD80] =	vst v63  }
0xe4: {  	s14 =	simm.s32 @!p0 $0x0  }
0xe5: {  	[tilespmem:s14], [sflag:$0x1] =	stream.linear.gather @!p0 [hbm4b:s19+s14], $0x80, $0x38;
	[tilespmem:$0x1FD80] =	vst v63  }
0xe6: {  	s15 =	simm.s32 @!p0 $0x180;
	s16 =	rddreg [dreg:$0xd]  }
0xe7: {  	[tilespmem:s15], [sflag:$0x1] =	stream.linear.gather @!p0 [hbm4b:s16+s14], $0x4000, $0x38;
	[tilespmem:$0x1FD80] =	vst v63  }
0xe8: {  	s16 =	simm.s32 @!p0 $0x3  }
0xe9: {  	_ =	swait.ge @!p0 [sflag:s16], $0x80  }
0xea: {  	[sflag:s16] =	ssyncset.done @!p0 $0x0  }
0xeb: {  	[sflag:s16] =	ssyncadd.s32 @!p0 $0xFFFFFF80  }
0xec: {  	_ =	swait.ge @!p0 [sflag:s16], $0x4000  }
0xed: {  	s17 =	simm.s32 @!p0 $0x100;
	[sflag:s16] =	ssyncset.done @!p0 $0x0  }
0xee: {  	s18 =	simm.s32 @!p0 $0x8180;
	[sflag:s16] =	ssyncadd.s32 @!p0 $0xFFFFC000;
	s16 =	simm.s32 @!p0 $0x80  }
0xef: {  	[spmem:s2] =	stream.indirect.scatter.add.f32 @!p0 [tilespmem:s18], [sflag:$0x6], $0x80, s17, s16, $0xb8;
	[tilespmem:$0x1FD80] =	vst v63  }
0xf0: {  	s17 =	simm.s32 @!p0 $0x5  }
0xf1: {  	_ =	swait.ge @!p0 [sflag:s17], $0x4000  }
0xf2: {  	[sflag:s17] =	ssyncset.done @!p0 $0x0  }
0xf3: {  	[sflag:s17] =	ssyncadd.s32 @!p0 $0xFFFFC000;
	s17 =	simm.s32 @!p0 $0x1  }
0xf4: {  	_ =	swait.ge @!p0 [sflag:s17], $0x80  }
0xf5: {  	[sflag:s17] =	ssyncset.done @!p0 $0x0  }
0xf6: {  	[sflag:s17] =	ssyncadd.s32 @!p0 $0xFFFFFF80  }
0xf7: {  	_ =	swait.ge @!p0 [sflag:s17], $0x4000  }
0xf8: {  	[sflag:s17] =	ssyncset.done @!p0 $0x0  }
0xf9: {  	[sflag:s17] =	ssyncadd.s32 @!p0 $0xFFFFC000  }
0xfa: {  	[spmem:s2] =	stream.indirect.scatter.add.f32 @!p0 [tilespmem:s15], [sflag:$0x4], $0x80, s14, s16, $0xb8;
	[tilespmem:$0x1FD80] =	vst v63  }
0xfb: {  	s14 =	simm.s32 @!p0 $0x6  }
0xfc: {  	s14 =	simm.s32 @p0 $0x5  }
0xfd: {  	_ =	swait.ge [sflag:s14], $0x4000  }
0xfe: {  	s15 =	simm.s32 @!p0 $0x4;
	[sflag:s14] =	ssyncset.done $0x0  }
0xff: {  	s15 =	simm.s32 @p0 $0x6;
	[sflag:s14] =	ssyncadd.s32 $0xFFFFC000  }
0x100: {  	s13 =	sadd.s32 $0x1, s13;
	_ =	swait.ge [sflag:s15], $0x4000  }
0x101: {  	p1 =	sne.s32 s13, s21;
	s17 =	stileid.u32;
	[sflag:s15] =	ssyncset.done $0x0  }
0x102: {  	s18 =	sshrl.u32 s8, $0x3;
	s14 =	sshll.u32 s17, $0x6;
	[sflag:s15] =	ssyncadd.s32 $0xFFFFC000  }
.Ltmp2:
0x103: {  	s14 =	sor.u32 $0x1C07, s14;
	[bflag:$0x0] =	sbarrier.arrive $0xFFFF;
	(pc) =	sbr.rel @p1 .LBB2_1-.Ltmp2, $4  }
0x104: {  	[hbm:s20], [sflag:s14] =	dma.local [spmem:s18], $0x2780  }
0x105: {  	_ =	swait.ge [sflag:s4], $0x2780  }
0x106: {  	[sflag:s4] =	ssyncset.done $0x0  }
0x107: {  	[sflag:s4] =	ssyncadd.s32 $0xFFFFD880  }
0x108: {  	_ =	sfence.sel $0x180000  }
0x109: {  	[bflag:$0x0] =	sbarrier.arrive $0xFFFF  }
0x10a: {  	_ =	strace $0x90000047  }
0x10b: {  	s0 =	stileid.u32;
	[bflag:$0x2] =	sbarrier.arrive $0xFFFF  }
0x10c: {  	p0 =	sne.s32 s0, $0x0;
	s0 =	rddreg [dreg:$0x4]  }
0x10d: {  	s0 =	sadd.s32 @!p0 $0x100000, s0  }
0x10e: {  	[sflag:s0] =	ssyncadd.tile.s32 @!p0 $0x1;
	_ =	shalt  }
.Lfunc_end2:
_tile_overlayer_lowered:
.L_overlay_start_2:
0x10f: {  	(tag) =	ssettag $0x2  }
0x110: {  	s0 =	rddreg [dreg:$0x0];
	s2 =	stileid.u32  }
0x111: {  	s1 =	rddreg [dreg:$0x1];
	p0 =	sne.s32 s2, $0x0  }
0x112: {  	s3 =	rddreg [dreg:$0x2];
	[bflag:$0x3] =	sbarrier.arrive $0xFFFF;
	s2 =	simm.s32 @!p0 $0x1C07  }
0x113: {  	[timem:s3], [sflag:s2] =	dma.local @!p0 [hbm:s0], s1  }
0x114: {  	s0 =	simm.s32 @!p0 $0x7  }
0x115: {  	_ =	swait.ge @!p0 [sflag:s0], s1  }
0x116: {  	s1 =	ssub.s32 @!p0 $0x0, s1;
	[sflag:s0] =	ssyncset.done @!p0 $0x0  }
0x117: {  	[sflag:s0] =	ssyncadd.s32 @!p0 s1  }
0x118: {  	[bflag:$0x3] =	sbarrier.arrive $0xFFFF  }
0x119: {  	_ =	shalt  }

</sc_bundles>
